<compile_context>
chip_gen: v7x
topology: tpu7x:2x2x1
jax: 0.10.2.dev20260603
libtpu: 0.0.44.dev20260713+nightly
codegen_flags: <defaults>
</compile_context>

<pallas_src>
import functools

import jax
import jax.numpy as jnp
from jax import lax
from jax.experimental import pallas as pl
from jax.experimental.pallas import tpu as pltpu
from jax.experimental.pallas import tpu_sc as plsc

_NC, _NS = 2, 16
_NW = _NC * _NS


def _make_sc_gather(B, L, D):
    RPW = B // _NW
    NCH = (L + 15) // 16
    LP = NCH * 16
    mesh = plsc.VectorSubcoreMesh(core_axis_name="c", subcore_axis_name="s")

    @functools.partial(
        pl.kernel,
        out_type=jax.ShapeDtypeStruct((B * L, D), jnp.float32),
        mesh=mesh,
        scratch_types=[
            pltpu.VMEM((RPW, L), jnp.int32),
            pltpu.VMEM((RPW * LP,), jnp.int32),
            pltpu.VMEM((LP + 16,), jnp.int32),
            pltpu.VMEM((4, L, D), jnp.float32),
            pltpu.SemaphoreType.DMA,
            pltpu.SemaphoreType.DMA,
        ],
        compiler_params=pltpu.CompilerParams(needs_layout_passes=False),
    )
    def sc_gather(mask_hbm, ex_hbm, out_hbm, mbuf, gidx, compact, rows, gsem, wsem):
        wid = lax.axis_index("s") * _NC + lax.axis_index("c")
        wb = wid * RPW
        pltpu.sync_copy(mask_hbm.at[pl.ds(wb, RPW)], mbuf)
        lane = lax.iota(jnp.int32, 16)

        zeros16 = jnp.zeros((16,), jnp.int32)
        ones16 = jnp.full((16,), 1, jnp.int32)

        def row_compute(r):
            compact[pl.ds(0, 16)] = zeros16
            carry = zeros16
            for c in range(NCH):
                start = c * 16 if (c + 1) * 16 <= L else L - 16
                v = mbuf[r, pl.ds(start, 16)]
                valid = v > zeros16
                if start != c * 16:
                    valid = jnp.logical_and(
                        valid, lane >= jnp.full((16,), c * 16 - start, jnp.int32))
                lanec = lane + jnp.full((16,), start, jnp.int32)
                key = jnp.where(valid, lanec,
                                lanec + jnp.full((16,), 4096, jnp.int32))
                _, svals = plsc.sort_key_val(key, lanec)
                plsc.store_scatter(compact, [carry + lane], svals)
                carry = carry + plsc.all_reduce_population_count(valid)
            nv16 = jnp.maximum(carry, ones16)
            gb16 = jnp.full((16,), (wb + r) * L, jnp.int32)
            recip = jnp.full((16,), 1.0, jnp.float32) / nv16.astype(jnp.float32)
            eps16 = jnp.full((16,), 2.0 ** -12, jnp.float32)
            lanef = lane.astype(jnp.float32)
            for c in range(NCH):
                jf = lanef + jnp.full((16,), float(c * 16), jnp.float32)
                q = (jf * recip + eps16).astype(jnp.int32)
                jm = (lane + jnp.full((16,), c * 16, jnp.int32)) - nv16 * q
                p = plsc.load_gather(compact, [jm])
                gidx[pl.ds(r * LP + c * 16, 16)] = p + gb16

        S0, S1 = 128, L - 128

        def fire_gather(r, slot):
            pltpu.async_copy(ex_hbm.at[gidx.at[pl.ds(r * LP, S0)]],
                             rows.at[slot, pl.ds(0, S0)], gsem)
            pltpu.async_copy(ex_hbm.at[gidx.at[pl.ds(r * LP + S0, S1)]],
                             rows.at[slot, pl.ds(S0, S1)], gsem)

        def wait_gather(r, slot):
            pltpu.make_async_copy(ex_hbm.at[gidx.at[pl.ds(r * LP, S0)]],
                                  rows.at[slot, pl.ds(0, S0)], gsem).wait()
            pltpu.make_async_copy(ex_hbm.at[gidx.at[pl.ds(r * LP + S0, S1)]],
                                  rows.at[slot, pl.ds(S0, S1)], gsem).wait()

        def fire_write(r, slot):
            pltpu.async_copy(rows.at[slot], out_hbm.at[pl.ds((wb + r) * L, L)],
                             wsem)

        def wait_write(slot):
            pltpu.make_async_copy(rows.at[slot],
                                  out_hbm.at[pl.ds(wb * L, L)], wsem).wait()

        NSLOT = 4
        row_compute(0)
        fire_gather(0, 0)

        def body(r, carry_unused):
            slot = lax.rem(r, NSLOT)
            row_compute(r)

            @pl.when(r >= NSLOT)
            def _():
                wait_write(slot)

            fire_gather(r, slot)
            pslot = lax.rem(r - 1, NSLOT)
            wait_gather(r - 1, pslot)
            fire_write(r - 1, pslot)
            return carry_unused

        lax.fori_loop(1, RPW, body, jnp.int32(0))
        last = RPW - 1
        wait_gather(last, last % NSLOT)
        fire_write(last, last % NSLOT)
        for _ in range(min(NSLOT, RPW)):
            wait_write(0)

    return sc_gather


def _ctx_repeat(ctx, L):
    B, D = ctx.shape
    CB = 64

    def body(ctx_ref, out_ref):
        out_ref[...] = jnp.broadcast_to(ctx_ref[...][:, None, :], (CB, L, D))

    out3 = pl.pallas_call(
        body,
        grid=(B // CB,),
        in_specs=[pl.BlockSpec((CB, D), lambda i: (i, 0))],
        out_specs=pl.BlockSpec((CB, L, D), lambda i: (i, 0, 0)),
        out_shape=jax.ShapeDtypeStruct((B, L, D), jnp.float32),
    )(ctx)
    return out3.reshape(B * L, D)


def kernel(context_features, example_features, list_mask):
    B, L = list_mask.shape
    D = example_features.shape[-1]
    mask_i32 = list_mask.astype(jnp.int32)
    ex_flat = example_features.reshape(B * L, D)
    flattened_example = _make_sc_gather(B, L, D)(mask_i32, ex_flat)
    flattened_context = _ctx_repeat(context_features, L)
    return (flattened_context, flattened_example)

# --- scband reference (transcript-rebuilt; emitter-appended) ---
"""Pipeline reference for scband-flatten-list-62251255988446 (READ-ONLY COPY).

The authoritative reference and input builder live on the scoring server;
editing this copy changes nothing except your own understanding.
"""

import jax, jax.numpy as jnp
import numpy as np

B, L, D = 1024, 200, 128

def setup_inputs(seed: int = 0) -> dict:
    key = jax.random.key(seed)
    k1, k2, k3 = jax.random.split(key, 3)
    context_features = jax.random.normal(k1, (B, D), dtype=jnp.float32)
    example_features = jax.random.normal(k2, (B, L, D), dtype=jnp.float32)
    list_mask = jax.random.randint(k3, (B, L), 0, 2).astype(jnp.bool_)
    return {"context_features": context_features, "example_features": example_features, "list_mask": list_mask}

def _padded_nd_row_indices(list_mask):
    # Emulates tfr utils.padded_nd_indices with shuffle=False:
    # per row, valid indices first (ascending original index), then circular-pad
    # over the valid indices to fill length L.
    Bm, Lm = list_mask.shape
    num_valid = jnp.sum(list_mask.astype(jnp.int32), axis=1)  # [B]
    invalid_flag = jnp.where(list_mask, 0, 1)  # 0 for valid, 1 for invalid
    # composite key guarantees stable tie-break by original index
    sort_key = invalid_flag * Lm + jnp.arange(Lm, dtype=jnp.int32)[None, :]
    order = jnp.argsort(sort_key, axis=1)  # [B, L]: valid indices first, in order
    nv = jnp.maximum(num_valid, 1)[:, None]  # guard against all-invalid rows
    circ = jnp.mod(jnp.arange(Lm, dtype=jnp.int32)[None, :], nv)  # [B, L]
    row_indices = jnp.take_along_axis(order, circ, axis=1)  # [B, L]
    return row_indices

def reference(context_features, example_features, list_mask):
    Bm, Lm = list_mask.shape
    Dm = example_features.shape[-1]
    # flatten context: repeat each query row list_size times -> [B*L, D]
    flattened_context = jnp.repeat(context_features, Lm, axis=0)
    # circular padding gather on examples, then flatten -> [B*L, D]
    row_indices = _padded_nd_row_indices(list_mask)
    gathered = jnp.take_along_axis(example_features, row_indices[:, :, None], axis=1)
    flattened_example = gathered.reshape(Bm * Lm, Dm)
    return (flattened_context, flattened_example)

if __name__ == "__main__":
    import jax
    _d = setup_inputs()
    print(jax.jit(kernel)(*tuple(_d.values())))

</pallas_src>

<mosaic_0001>
#map = affine_map<(d0, d1) -> (0, 0)>
module attributes {stable_mosaic.version = 14 : i64} {
  func.func @sc_gather(%arg0: i32, %arg1: i32, %arg2: memref<1024x200xi32, #tpu.memory_space<hbm>>, %arg3: memref<204800x128xf32, #tpu.memory_space<hbm>>, %arg4: memref<204800x128xf32, #tpu.memory_space<hbm>>, %arg5: memref<32x200xi32, #tpu.memory_space<vmem>>, %arg6: memref<6656xi32, #tpu.memory_space<vmem>>, %arg7: memref<224xi32, #tpu.memory_space<vmem>>, %arg8: memref<4x200x128xf32, #tpu.memory_space<vmem>>, %arg9: memref<!tpu.dma_semaphore, #tpu.memory_space<semaphore_mem>>, %arg10: memref<!tpu.dma_semaphore, #tpu.memory_space<semaphore_mem>>) attributes {dimension_semantics = [#tpu.dimension_semantics<core_parallel>, #tpu.dimension_semantics<subcore_parallel>], iteration_bounds = array<i64: 2, 16>, scalar_prefetch = 0 : i64, scratch_operands = 6 : i64, tpu.core_type = #tpu.core_type<sc_vector_subcore>, window_params = [{transform_indices = #map}, {transform_indices = #map}, {transform_indices = #map}]} {
    %mul3A = arith.constant 2 : i32
    %mul3A_0 = arith.muli %arg1, %mul3A : i32
    %add3A = arith.addi %mul3A_0, %arg0 : i32
    %mul3A_1 = arith.constant 32 : i32
    %mul3A_2 = arith.muli %add3A, %mul3A_1 : i32
    "tpu.region"() ({
      %run_scoped3A = tpu.sem_alloc : memref<!tpu.dma_semaphore, #tpu.memory_space<semaphore_mem>>
      %dma_start3A_626 = arith.constant 0 : i32
      %dma_start3A_627 = tpu.memref_slice %arg2[%mul3A_2, %dma_start3A_626] : memref<1024x200xi32, #tpu.memory_space<hbm>> -> memref<32x200xi32, #tpu.memory_space<hbm>>
      %dma_start3A_628 = arith.constant 0 : i32
      %dma_start3A_629 = tpu.memref_slice %arg2[%mul3A_2, %dma_start3A_628] : memref<1024x200xi32, #tpu.memory_space<hbm>> -> memref<32x200xi32, #tpu.memory_space<hbm>>
      tpu.enqueue_dma source(%dma_start3A_629 : memref<32x200xi32, #tpu.memory_space<hbm>>) target(%arg5 : memref<32x200xi32, #tpu.memory_space<vmem>>) target_semaphore(%run_scoped3A : memref<!tpu.dma_semaphore, #tpu.memory_space<semaphore_mem>>)
      %dma_wait3A_630 = arith.constant 0 : i32
      %dma_wait3A_631 = tpu.memref_slice %arg2[%mul3A_2, %dma_wait3A_630] : memref<1024x200xi32, #tpu.memory_space<hbm>> -> memref<32x200xi32, #tpu.memory_space<hbm>>
      %dma_wait3A_632 = arith.constant 0 : i32
      %dma_wait3A_633 = tpu.memref_slice %arg2[%mul3A_2, %dma_wait3A_632] : memref<1024x200xi32, #tpu.memory_space<hbm>> -> memref<32x200xi32, #tpu.memory_space<hbm>>
      tpu.wait_dma2 semaphore(%run_scoped3A : memref<!tpu.dma_semaphore, #tpu.memory_space<semaphore_mem>>) src(%dma_wait3A_633 : memref<32x200xi32, #tpu.memory_space<hbm>>) dst(%arg5 : memref<32x200xi32, #tpu.memory_space<vmem>>)
      tpu.yield
    }) : () -> ()
    %iota3A = tpu.iota {dimensions = array<i32: 0>} : vector<16xi32>
    %broadcast_in_dim3A = arith.constant 0 : i32
    %broadcast_in_dim3A_3 = vector.broadcast %broadcast_in_dim3A : i32 to vector<16xi32>
    %broadcast_in_dim3A_4 = arith.constant 1 : i32
    %broadcast_in_dim3A_5 = vector.broadcast %broadcast_in_dim3A_4 : i32 to vector<16xi32>
    %swap3A = arith.constant 0 : index
    %swap3A_6 = tpu.vector_load %arg7[%swap3A] {strides = array<i32>} : memref<224xi32, #tpu.memory_space<vmem>>, vector<16xi32>,
    tpu.vector_store %arg7[%swap3A], %broadcast_in_dim3A_3 {strides = array<i32>} : memref<224xi32, #tpu.memory_space<vmem>>, vector<16xi32>,
    %get3A = arith.constant 0 : i32
    %get3A_7 = arith.index_cast %get3A : i32 to index
    %get3A_8 = arith.constant 0 : index
    %get3A_9 = tpu.vector_load %arg5[%get3A_7, %get3A_8] {strides = array<i32>} : memref<32x200xi32, #tpu.memory_space<vmem>>, vector<16xi32>,
    %gt3A = arith.cmpi sgt, %get3A_9, %broadcast_in_dim3A_3 : vector<16xi32>
    %broadcast_in_dim3A_10 = arith.constant 0 : i32
    %broadcast_in_dim3A_11 = vector.broadcast %broadcast_in_dim3A_10 : i32 to vector<16xi32>
    %add3A_12 = arith.addi %iota3A, %broadcast_in_dim3A_11 : vector<16xi32>
    %broadcast_in_dim3A_13 = arith.constant 4096 : i32
    %broadcast_in_dim3A_14 = vector.broadcast %broadcast_in_dim3A_13 : i32 to vector<16xi32>
    %add3A_15 = arith.addi %add3A_12, %broadcast_in_dim3A_14 : vector<16xi32>
    %select_n3A = arith.select %gt3A, %add3A_12, %add3A_15 : vector<16xi1>, vector<16xi32>
    %masked_sort3A = arith.constant dense<true> : vector<16xi1>
    %masked_sort3A_16 = arith.constant -2147483648 : i32
    %masked_sort3A_17 = vector.broadcast %masked_sort3A_16 : i32 to vector<16xi32>
    %masked_sort3A_18 = arith.xori %select_n3A, %masked_sort3A_17 : vector<16xi32>
    %masked_sort3A_19, %masked_sort3A_20, %masked_sort3A_21 = tpu.sort %masked_sort3A_18, %add3A_12 masked %masked_sort3A : (vector<16xi32>, vector<16xi32>, vector<16xi1>) -> (vector<16xi1>, vector<16xi32>, vector<16xi32>)
    %masked_sort3A_22 = arith.xori %masked_sort3A_20, %masked_sort3A_17 : vector<16xi32>
    %add3A_23 = arith.addi %broadcast_in_dim3A_3, %iota3A : vector<16xi32>
    tpu.vector_store_idx %arg7[%add3A_23], %masked_sort3A_21 : memref<224xi32, #tpu.memory_space<vmem>>[vector<16xi32>], vector<16xi32>,
    %all_reduce_population_count3A = tpu.all_reduce %gt3A {dim = 0 : i64, kind = #tpu.reduction_kind<sum>} : vector<16xi1> -> vector<16xi32>
    %add3A_24 = arith.addi %broadcast_in_dim3A_3, %all_reduce_population_count3A : vector<16xi32>
    %get3A_25 = arith.constant 0 : i32
    %get3A_26 = arith.index_cast %get3A_25 : i32 to index
    %get3A_27 = arith.constant 16 : index
    %get3A_28 = tpu.vector_load %arg5[%get3A_26, %get3A_27] {strides = array<i32>} : memref<32x200xi32, #tpu.memory_space<vmem>>, vector<16xi32>,
    %gt3A_29 = arith.cmpi sgt, %get3A_28, %broadcast_in_dim3A_3 : vector<16xi32>
    %broadcast_in_dim3A_30 = arith.constant 16 : i32
    %broadcast_in_dim3A_31 = vector.broadcast %broadcast_in_dim3A_30 : i32 to vector<16xi32>
    %add3A_32 = arith.addi %iota3A, %broadcast_in_dim3A_31 : vector<16xi32>
    %broadcast_in_dim3A_33 = arith.constant 4096 : i32
    %broadcast_in_dim3A_34 = vector.broadcast %broadcast_in_dim3A_33 : i32 to vector<16xi32>
    %add3A_35 = arith.addi %add3A_32, %broadcast_in_dim3A_34 : vector<16xi32>
    %select_n3A_36 = arith.select %gt3A_29, %add3A_32, %add3A_35 : vector<16xi1>, vector<16xi32>
    %masked_sort3A_37 = arith.constant dense<true> : vector<16xi1>
    %masked_sort3A_38 = arith.constant -2147483648 : i32
    %masked_sort3A_39 = vector.broadcast %masked_sort3A_38 : i32 to vector<16xi32>
    %masked_sort3A_40 = arith.xori %select_n3A_36, %masked_sort3A_39 : vector<16xi32>
    %masked_sort3A_41, %masked_sort3A_42, %masked_sort3A_43 = tpu.sort %masked_sort3A_40, %add3A_32 masked %masked_sort3A_37 : (vector<16xi32>, vector<16xi32>, vector<16xi1>) -> (vector<16xi1>, vector<16xi32>, vector<16xi32>)
    %masked_sort3A_44 = arith.xori %masked_sort3A_42, %masked_sort3A_39 : vector<16xi32>
    %add3A_45 = arith.addi %add3A_24, %iota3A : vector<16xi32>
    tpu.vector_store_idx %arg7[%add3A_45], %masked_sort3A_43 : memref<224xi32, #tpu.memory_space<vmem>>[vector<16xi32>], vector<16xi32>,
    %all_reduce_population_count3A_46 = tpu.all_reduce %gt3A_29 {dim = 0 : i64, kind = #tpu.reduction_kind<sum>} : vector<16xi1> -> vector<16xi32>
    %add3A_47 = arith.addi %add3A_24, %all_reduce_population_count3A_46 : vector<16xi32>
    %get3A_48 = arith.constant 0 : i32
    %get3A_49 = arith.index_cast %get3A_48 : i32 to index
    %get3A_50 = arith.constant 32 : index
    %get3A_51 = tpu.vector_load %arg5[%get3A_49, %get3A_50] {strides = array<i32>} : memref<32x200xi32, #tpu.memory_space<vmem>>, vector<16xi32>,
    %gt3A_52 = arith.cmpi sgt, %get3A_51, %broadcast_in_dim3A_3 : vector<16xi32>
    %broadcast_in_dim3A_53 = arith.constant 32 : i32
    %broadcast_in_dim3A_54 = vector.broadcast %broadcast_in_dim3A_53 : i32 to vector<16xi32>
    %add3A_55 = arith.addi %iota3A, %broadcast_in_dim3A_54 : vector<16xi32>
    %broadcast_in_dim3A_56 = arith.constant 4096 : i32
    %broadcast_in_dim3A_57 = vector.broadcast %broadcast_in_dim3A_56 : i32 to vector<16xi32>
    %add3A_58 = arith.addi %add3A_55, %broadcast_in_dim3A_57 : vector<16xi32>
    %select_n3A_59 = arith.select %gt3A_52, %add3A_55, %add3A_58 : vector<16xi1>, vector<16xi32>
    %masked_sort3A_60 = arith.constant dense<true> : vector<16xi1>
    %masked_sort3A_61 = arith.constant -2147483648 : i32
    %masked_sort3A_62 = vector.broadcast %masked_sort3A_61 : i32 to vector<16xi32>
    %masked_sort3A_63 = arith.xori %select_n3A_59, %masked_sort3A_62 : vector<16xi32>
    %masked_sort3A_64, %masked_sort3A_65, %masked_sort3A_66 = tpu.sort %masked_sort3A_63, %add3A_55 masked %masked_sort3A_60 : (vector<16xi32>, vector<16xi32>, vector<16xi1>) -> (vector<16xi1>, vector<16xi32>, vector<16xi32>)
    %masked_sort3A_67 = arith.xori %masked_sort3A_65, %masked_sort3A_62 : vector<16xi32>
    %add3A_68 = arith.addi %add3A_47, %iota3A : vector<16xi32>
    tpu.vector_store_idx %arg7[%add3A_68], %masked_sort3A_66 : memref<224xi32, #tpu.memory_space<vmem>>[vector<16xi32>], vector<16xi32>,
    %all_reduce_population_count3A_69 = tpu.all_reduce %gt3A_52 {dim = 0 : i64, kind = #tpu.reduction_kind<sum>} : vector<16xi1> -> vector<16xi32>
    %add3A_70 = arith.addi %add3A_47, %all_reduce_population_count3A_69 : vector<16xi32>
    %get3A_71 = arith.constant 0 : i32
    %get3A_72 = arith.index_cast %get3A_71 : i32 to index
    %get3A_73 = arith.constant 48 : index
    %get3A_74 = tpu.vector_load %arg5[%get3A_72, %get3A_73] {strides = array<i32>} : memref<32x200xi32, #tpu.memory_space<vmem>>, vector<16xi32>,
    %gt3A_75 = arith.cmpi sgt, %get3A_74, %broadcast_in_dim3A_3 : vector<16xi32>
    %broadcast_in_dim3A_76 = arith.constant 48 : i32
    %broadcast_in_dim3A_77 = vector.broadcast %broadcast_in_dim3A_76 : i32 to vector<16xi32>
    %add3A_78 = arith.addi %iota3A, %broadcast_in_dim3A_77 : vector<16xi32>
    %broadcast_in_dim3A_79 = arith.constant 4096 : i32
    %broadcast_in_dim3A_80 = vector.broadcast %broadcast_in_dim3A_79 : i32 to vector<16xi32>
    %add3A_81 = arith.addi %add3A_78, %broadcast_in_dim3A_80 : vector<16xi32>
    %select_n3A_82 = arith.select %gt3A_75, %add3A_78, %add3A_81 : vector<16xi1>, vector<16xi32>
    %masked_sort3A_83 = arith.constant dense<true> : vector<16xi1>
    %masked_sort3A_84 = arith.constant -2147483648 : i32
    %masked_sort3A_85 = vector.broadcast %masked_sort3A_84 : i32 to vector<16xi32>
    %masked_sort3A_86 = arith.xori %select_n3A_82, %masked_sort3A_85 : vector<16xi32>
    %masked_sort3A_87, %masked_sort3A_88, %masked_sort3A_89 = tpu.sort %masked_sort3A_86, %add3A_78 masked %masked_sort3A_83 : (vector<16xi32>, vector<16xi32>, vector<16xi1>) -> (vector<16xi1>, vector<16xi32>, vector<16xi32>)
    %masked_sort3A_90 = arith.xori %masked_sort3A_88, %masked_sort3A_85 : vector<16xi32>
    %add3A_91 = arith.addi %add3A_70, %iota3A : vector<16xi32>
    tpu.vector_store_idx %arg7[%add3A_91], %masked_sort3A_89 : memref<224xi32, #tpu.memory_space<vmem>>[vector<16xi32>], vector<16xi32>,
    %all_reduce_population_count3A_92 = tpu.all_reduce %gt3A_75 {dim = 0 : i64, kind = #tpu.reduction_kind<sum>} : vector<16xi1> -> vector<16xi32>
    %add3A_93 = arith.addi %add3A_70, %all_reduce_population_count3A_92 : vector<16xi32>
    %get3A_94 = arith.constant 0 : i32
    %get3A_95 = arith.index_cast %get3A_94 : i32 to index
    %get3A_96 = arith.constant 64 : index
    %get3A_97 = tpu.vector_load %arg5[%get3A_95, %get3A_96] {strides = array<i32>} : memref<32x200xi32, #tpu.memory_space<vmem>>, vector<16xi32>,
    %gt3A_98 = arith.cmpi sgt, %get3A_97, %broadcast_in_dim3A_3 : vector<16xi32>
    %broadcast_in_dim3A_99 = arith.constant 64 : i32
    %broadcast_in_dim3A_100 = vector.broadcast %broadcast_in_dim3A_99 : i32 to vector<16xi32>
    %add3A_101 = arith.addi %iota3A, %broadcast_in_dim3A_100 : vector<16xi32>
    %broadcast_in_dim3A_102 = arith.constant 4096 : i32
    %broadcast_in_dim3A_103 = vector.broadcast %broadcast_in_dim3A_102 : i32 to vector<16xi32>
    %add3A_104 = arith.addi %add3A_101, %broadcast_in_dim3A_103 : vector<16xi32>
    %select_n3A_105 = arith.select %gt3A_98, %add3A_101, %add3A_104 : vector<16xi1>, vector<16xi32>
    %masked_sort3A_106 = arith.constant dense<true> : vector<16xi1>
    %masked_sort3A_107 = arith.constant -2147483648 : i32
    %masked_sort3A_108 = vector.broadcast %masked_sort3A_107 : i32 to vector<16xi32>
    %masked_sort3A_109 = arith.xori %select_n3A_105, %masked_sort3A_108 : vector<16xi32>
    %masked_sort3A_110, %masked_sort3A_111, %masked_sort3A_112 = tpu.sort %masked_sort3A_109, %add3A_101 masked %masked_sort3A_106 : (vector<16xi32>, vector<16xi32>, vector<16xi1>) -> (vector<16xi1>, vector<16xi32>, vector<16xi32>)
    %masked_sort3A_113 = arith.xori %masked_sort3A_111, %masked_sort3A_108 : vector<16xi32>
    %add3A_114 = arith.addi %add3A_93, %iota3A : vector<16xi32>
    tpu.vector_store_idx %arg7[%add3A_114], %masked_sort3A_112 : memref<224xi32, #tpu.memory_space<vmem>>[vector<16xi32>], vector<16xi32>,
    %all_reduce_population_count3A_115 = tpu.all_reduce %gt3A_98 {dim = 0 : i64, kind = #tpu.reduction_kind<sum>} : vector<16xi1> -> vector<16xi32>
    %add3A_116 = arith.addi %add3A_93, %all_reduce_population_count3A_115 : vector<16xi32>
    %get3A_117 = arith.constant 0 : i32
    %get3A_118 = arith.index_cast %get3A_117 : i32 to index
    %get3A_119 = arith.constant 80 : index
    %get3A_120 = tpu.vector_load %arg5[%get3A_118, %get3A_119] {strides = array<i32>} : memref<32x200xi32, #tpu.memory_space<vmem>>, vector<16xi32>,
    %gt3A_121 = arith.cmpi sgt, %get3A_120, %broadcast_in_dim3A_3 : vector<16xi32>
    %broadcast_in_dim3A_122 = arith.constant 80 : i32
    %broadcast_in_dim3A_123 = vector.broadcast %broadcast_in_dim3A_122 : i32 to vector<16xi32>
    %add3A_124 = arith.addi %iota3A, %broadcast_in_dim3A_123 : vector<16xi32>
    %broadcast_in_dim3A_125 = arith.constant 4096 : i32
    %broadcast_in_dim3A_126 = vector.broadcast %broadcast_in_dim3A_125 : i32 to vector<16xi32>
    %add3A_127 = arith.addi %add3A_124, %broadcast_in_dim3A_126 : vector<16xi32>
    %select_n3A_128 = arith.select %gt3A_121, %add3A_124, %add3A_127 : vector<16xi1>, vector<16xi32>
    %masked_sort3A_129 = arith.constant dense<true> : vector<16xi1>
    %masked_sort3A_130 = arith.constant -2147483648 : i32
    %masked_sort3A_131 = vector.broadcast %masked_sort3A_130 : i32 to vector<16xi32>
    %masked_sort3A_132 = arith.xori %select_n3A_128, %masked_sort3A_131 : vector<16xi32>
    %masked_sort3A_133, %masked_sort3A_134, %masked_sort3A_135 = tpu.sort %masked_sort3A_132, %add3A_124 masked %masked_sort3A_129 : (vector<16xi32>, vector<16xi32>, vector<16xi1>) -> (vector<16xi1>, vector<16xi32>, vector<16xi32>)
    %masked_sort3A_136 = arith.xori %masked_sort3A_134, %masked_sort3A_131 : vector<16xi32>
    %add3A_137 = arith.addi %add3A_116, %iota3A : vector<16xi32>
    tpu.vector_store_idx %arg7[%add3A_137], %masked_sort3A_135 : memref<224xi32, #tpu.memory_space<vmem>>[vector<16xi32>], vector<16xi32>,
    %all_reduce_population_count3A_138 = tpu.all_reduce %gt3A_121 {dim = 0 : i64, kind = #tpu.reduction_kind<sum>} : vector<16xi1> -> vector<16xi32>
    %add3A_139 = arith.addi %add3A_116, %all_reduce_population_count3A_138 : vector<16xi32>
    %get3A_140 = arith.constant 0 : i32
    %get3A_141 = arith.index_cast %get3A_140 : i32 to index
    %get3A_142 = arith.constant 96 : index
    %get3A_143 = tpu.vector_load %arg5[%get3A_141, %get3A_142] {strides = array<i32>} : memref<32x200xi32, #tpu.memory_space<vmem>>, vector<16xi32>,
    %gt3A_144 = arith.cmpi sgt, %get3A_143, %broadcast_in_dim3A_3 : vector<16xi32>
    %broadcast_in_dim3A_145 = arith.constant 96 : i32
    %broadcast_in_dim3A_146 = vector.broadcast %broadcast_in_dim3A_145 : i32 to vector<16xi32>
    %add3A_147 = arith.addi %iota3A, %broadcast_in_dim3A_146 : vector<16xi32>
    %broadcast_in_dim3A_148 = arith.constant 4096 : i32
    %broadcast_in_dim3A_149 = vector.broadcast %broadcast_in_dim3A_148 : i32 to vector<16xi32>
    %add3A_150 = arith.addi %add3A_147, %broadcast_in_dim3A_149 : vector<16xi32>
    %select_n3A_151 = arith.select %gt3A_144, %add3A_147, %add3A_150 : vector<16xi1>, vector<16xi32>
    %masked_sort3A_152 = arith.constant dense<true> : vector<16xi1>
    %masked_sort3A_153 = arith.constant -2147483648 : i32
    %masked_sort3A_154 = vector.broadcast %masked_sort3A_153 : i32 to vector<16xi32>
    %masked_sort3A_155 = arith.xori %select_n3A_151, %masked_sort3A_154 : vector<16xi32>
    %masked_sort3A_156, %masked_sort3A_157, %masked_sort3A_158 = tpu.sort %masked_sort3A_155, %add3A_147 masked %masked_sort3A_152 : (vector<16xi32>, vector<16xi32>, vector<16xi1>) -> (vector<16xi1>, vector<16xi32>, vector<16xi32>)
    %masked_sort3A_159 = arith.xori %masked_sort3A_157, %masked_sort3A_154 : vector<16xi32>
    %add3A_160 = arith.addi %add3A_139, %iota3A : vector<16xi32>
    tpu.vector_store_idx %arg7[%add3A_160], %masked_sort3A_158 : memref<224xi32, #tpu.memory_space<vmem>>[vector<16xi32>], vector<16xi32>,
    %all_reduce_population_count3A_161 = tpu.all_reduce %gt3A_144 {dim = 0 : i64, kind = #tpu.reduction_kind<sum>} : vector<16xi1> -> vector<16xi32>
    %add3A_162 = arith.addi %add3A_139, %all_reduce_population_count3A_161 : vector<16xi32>
    %get3A_163 = arith.constant 0 : i32
    %get3A_164 = arith.index_cast %get3A_163 : i32 to index
    %get3A_165 = arith.constant 112 : index
    %get3A_166 = tpu.vector_load %arg5[%get3A_164, %get3A_165] {strides = array<i32>} : memref<32x200xi32, #tpu.memory_space<vmem>>, vector<16xi32>,
    %gt3A_167 = arith.cmpi sgt, %get3A_166, %broadcast_in_dim3A_3 : vector<16xi32>
    %broadcast_in_dim3A_168 = arith.constant 112 : i32
    %broadcast_in_dim3A_169 = vector.broadcast %broadcast_in_dim3A_168 : i32 to vector<16xi32>
    %add3A_170 = arith.addi %iota3A, %broadcast_in_dim3A_169 : vector<16xi32>
    %broadcast_in_dim3A_171 = arith.constant 4096 : i32
    %broadcast_in_dim3A_172 = vector.broadcast %broadcast_in_dim3A_171 : i32 to vector<16xi32>
    %add3A_173 = arith.addi %add3A_170, %broadcast_in_dim3A_172 : vector<16xi32>
    %select_n3A_174 = arith.select %gt3A_167, %add3A_170, %add3A_173 : vector<16xi1>, vector<16xi32>
    %masked_sort3A_175 = arith.constant dense<true> : vector<16xi1>
    %masked_sort3A_176 = arith.constant -2147483648 : i32
    %masked_sort3A_177 = vector.broadcast %masked_sort3A_176 : i32 to vector<16xi32>
    %masked_sort3A_178 = arith.xori %select_n3A_174, %masked_sort3A_177 : vector<16xi32>
    %masked_sort3A_179, %masked_sort3A_180, %masked_sort3A_181 = tpu.sort %masked_sort3A_178, %add3A_170 masked %masked_sort3A_175 : (vector<16xi32>, vector<16xi32>, vector<16xi1>) -> (vector<16xi1>, vector<16xi32>, vector<16xi32>)
    %masked_sort3A_182 = arith.xori %masked_sort3A_180, %masked_sort3A_177 : vector<16xi32>
    %add3A_183 = arith.addi %add3A_162, %iota3A : vector<16xi32>
    tpu.vector_store_idx %arg7[%add3A_183], %masked_sort3A_181 : memref<224xi32, #tpu.memory_space<vmem>>[vector<16xi32>], vector<16xi32>,
    %all_reduce_population_count3A_184 = tpu.all_reduce %gt3A_167 {dim = 0 : i64, kind = #tpu.reduction_kind<sum>} : vector<16xi1> -> vector<16xi32>
    %add3A_185 = arith.addi %add3A_162, %all_reduce_population_count3A_184 : vector<16xi32>
    %get3A_186 = arith.constant 0 : i32
    %get3A_187 = arith.index_cast %get3A_186 : i32 to index
    %get3A_188 = arith.constant 128 : index
    %get3A_189 = tpu.vector_load %arg5[%get3A_187, %get3A_188] {strides = array<i32>} : memref<32x200xi32, #tpu.memory_space<vmem>>, vector<16xi32>,
    %gt3A_190 = arith.cmpi sgt, %get3A_189, %broadcast_in_dim3A_3 : vector<16xi32>
    %broadcast_in_dim3A_191 = arith.constant 128 : i32
    %broadcast_in_dim3A_192 = vector.broadcast %broadcast_in_dim3A_191 : i32 to vector<16xi32>
    %add3A_193 = arith.addi %iota3A, %broadcast_in_dim3A_192 : vector<16xi32>
    %broadcast_in_dim3A_194 = arith.constant 4096 : i32
    %broadcast_in_dim3A_195 = vector.broadcast %broadcast_in_dim3A_194 : i32 to vector<16xi32>
    %add3A_196 = arith.addi %add3A_193, %broadcast_in_dim3A_195 : vector<16xi32>
    %select_n3A_197 = arith.select %gt3A_190, %add3A_193, %add3A_196 : vector<16xi1>, vector<16xi32>
    %masked_sort3A_198 = arith.constant dense<true> : vector<16xi1>
    %masked_sort3A_199 = arith.constant -2147483648 : i32
    %masked_sort3A_200 = vector.broadcast %masked_sort3A_199 : i32 to vector<16xi32>
    %masked_sort3A_201 = arith.xori %select_n3A_197, %masked_sort3A_200 : vector<16xi32>
    %masked_sort3A_202, %masked_sort3A_203, %masked_sort3A_204 = tpu.sort %masked_sort3A_201, %add3A_193 masked %masked_sort3A_198 : (vector<16xi32>, vector<16xi32>, vector<16xi1>) -> (vector<16xi1>, vector<16xi32>, vector<16xi32>)
    %masked_sort3A_205 = arith.xori %masked_sort3A_203, %masked_sort3A_200 : vector<16xi32>
    %add3A_206 = arith.addi %add3A_185, %iota3A : vector<16xi32>
    tpu.vector_store_idx %arg7[%add3A_206], %masked_sort3A_204 : memref<224xi32, #tpu.memory_space<vmem>>[vector<16xi32>], vector<16xi32>,
    %all_reduce_population_count3A_207 = tpu.all_reduce %gt3A_190 {dim = 0 : i64, kind = #tpu.reduction_kind<sum>} : vector<16xi1> -> vector<16xi32>
    %add3A_208 = arith.addi %add3A_185, %all_reduce_population_count3A_207 : vector<16xi32>
    %get3A_209 = arith.constant 0 : i32
    %get3A_210 = arith.index_cast %get3A_209 : i32 to index
    %get3A_211 = arith.constant 144 : index
    %get3A_212 = tpu.vector_load %arg5[%get3A_210, %get3A_211] {strides = array<i32>} : memref<32x200xi32, #tpu.memory_space<vmem>>, vector<16xi32>,
    %gt3A_213 = arith.cmpi sgt, %get3A_212, %broadcast_in_dim3A_3 : vector<16xi32>
    %broadcast_in_dim3A_214 = arith.constant 144 : i32
    %broadcast_in_dim3A_215 = vector.broadcast %broadcast_in_dim3A_214 : i32 to vector<16xi32>
    %add3A_216 = arith.addi %iota3A, %broadcast_in_dim3A_215 : vector<16xi32>
    %broadcast_in_dim3A_217 = arith.constant 4096 : i32
    %broadcast_in_dim3A_218 = vector.broadcast %broadcast_in_dim3A_217 : i32 to vector<16xi32>
    %add3A_219 = arith.addi %add3A_216, %broadcast_in_dim3A_218 : vector<16xi32>
    %select_n3A_220 = arith.select %gt3A_213, %add3A_216, %add3A_219 : vector<16xi1>, vector<16xi32>
    %masked_sort3A_221 = arith.constant dense<true> : vector<16xi1>
    %masked_sort3A_222 = arith.constant -2147483648 : i32
    %masked_sort3A_223 = vector.broadcast %masked_sort3A_222 : i32 to vector<16xi32>
    %masked_sort3A_224 = arith.xori %select_n3A_220, %masked_sort3A_223 : vector<16xi32>
    %masked_sort3A_225, %masked_sort3A_226, %masked_sort3A_227 = tpu.sort %masked_sort3A_224, %add3A_216 masked %masked_sort3A_221 : (vector<16xi32>, vector<16xi32>, vector<16xi1>) -> (vector<16xi1>, vector<16xi32>, vector<16xi32>)
    %masked_sort3A_228 = arith.xori %masked_sort3A_226, %masked_sort3A_223 : vector<16xi32>
    %add3A_229 = arith.addi %add3A_208, %iota3A : vector<16xi32>
    tpu.vector_store_idx %arg7[%add3A_229], %masked_sort3A_227 : memref<224xi32, #tpu.memory_space<vmem>>[vector<16xi32>], vector<16xi32>,
    %all_reduce_population_count3A_230 = tpu.all_reduce %gt3A_213 {dim = 0 : i64, kind = #tpu.reduction_kind<sum>} : vector<16xi1> -> vector<16xi32>
    %add3A_231 = arith.addi %add3A_208, %all_reduce_population_count3A_230 : vector<16xi32>
    %get3A_232 = arith.constant 0 : i32
    %get3A_233 = arith.index_cast %get3A_232 : i32 to index
    %get3A_234 = arith.constant 160 : index
    %get3A_235 = tpu.vector_load %arg5[%get3A_233, %get3A_234] {strides = array<i32>} : memref<32x200xi32, #tpu.memory_space<vmem>>, vector<16xi32>,
    %gt3A_236 = arith.cmpi sgt, %get3A_235, %broadcast_in_dim3A_3 : vector<16xi32>
    %broadcast_in_dim3A_237 = arith.constant 160 : i32
    %broadcast_in_dim3A_238 = vector.broadcast %broadcast_in_dim3A_237 : i32 to vector<16xi32>
    %add3A_239 = arith.addi %iota3A, %broadcast_in_dim3A_238 : vector<16xi32>
    %broadcast_in_dim3A_240 = arith.constant 4096 : i32
    %broadcast_in_dim3A_241 = vector.broadcast %broadcast_in_dim3A_240 : i32 to vector<16xi32>
    %add3A_242 = arith.addi %add3A_239, %broadcast_in_dim3A_241 : vector<16xi32>
    %select_n3A_243 = arith.select %gt3A_236, %add3A_239, %add3A_242 : vector<16xi1>, vector<16xi32>
    %masked_sort3A_244 = arith.constant dense<true> : vector<16xi1>
    %masked_sort3A_245 = arith.constant -2147483648 : i32
    %masked_sort3A_246 = vector.broadcast %masked_sort3A_245 : i32 to vector<16xi32>
    %masked_sort3A_247 = arith.xori %select_n3A_243, %masked_sort3A_246 : vector<16xi32>
    %masked_sort3A_248, %masked_sort3A_249, %masked_sort3A_250 = tpu.sort %masked_sort3A_247, %add3A_239 masked %masked_sort3A_244 : (vector<16xi32>, vector<16xi32>, vector<16xi1>) -> (vector<16xi1>, vector<16xi32>, vector<16xi32>)
    %masked_sort3A_251 = arith.xori %masked_sort3A_249, %masked_sort3A_246 : vector<16xi32>
    %add3A_252 = arith.addi %add3A_231, %iota3A : vector<16xi32>
    tpu.vector_store_idx %arg7[%add3A_252], %masked_sort3A_250 : memref<224xi32, #tpu.memory_space<vmem>>[vector<16xi32>], vector<16xi32>,
    %all_reduce_population_count3A_253 = tpu.all_reduce %gt3A_236 {dim = 0 : i64, kind = #tpu.reduction_kind<sum>} : vector<16xi1> -> vector<16xi32>
    %add3A_254 = arith.addi %add3A_231, %all_reduce_population_count3A_253 : vector<16xi32>
    %get3A_255 = arith.constant 0 : i32
    %get3A_256 = arith.index_cast %get3A_255 : i32 to index
    %get3A_257 = arith.constant 176 : index
    %get3A_258 = tpu.vector_load %arg5[%get3A_256, %get3A_257] {strides = array<i32>} : memref<32x200xi32, #tpu.memory_space<vmem>>, vector<16xi32>,
    %gt3A_259 = arith.cmpi sgt, %get3A_258, %broadcast_in_dim3A_3 : vector<16xi32>
    %broadcast_in_dim3A_260 = arith.constant 176 : i32
    %broadcast_in_dim3A_261 = vector.broadcast %broadcast_in_dim3A_260 : i32 to vector<16xi32>
    %add3A_262 = arith.addi %iota3A, %broadcast_in_dim3A_261 : vector<16xi32>
    %broadcast_in_dim3A_263 = arith.constant 4096 : i32
    %broadcast_in_dim3A_264 = vector.broadcast %broadcast_in_dim3A_263 : i32 to vector<16xi32>
    %add3A_265 = arith.addi %add3A_262, %broadcast_in_dim3A_264 : vector<16xi32>
    %select_n3A_266 = arith.select %gt3A_259, %add3A_262, %add3A_265 : vector<16xi1>, vector<16xi32>
    %masked_sort3A_267 = arith.constant dense<true> : vector<16xi1>
    %masked_sort3A_268 = arith.constant -2147483648 : i32
    %masked_sort3A_269 = vector.broadcast %masked_sort3A_268 : i32 to vector<16xi32>
    %masked_sort3A_270 = arith.xori %select_n3A_266, %masked_sort3A_269 : vector<16xi32>
    %masked_sort3A_271, %masked_sort3A_272, %masked_sort3A_273 = tpu.sort %masked_sort3A_270, %add3A_262 masked %masked_sort3A_267 : (vector<16xi32>, vector<16xi32>, vector<16xi1>) -> (vector<16xi1>, vector<16xi32>, vector<16xi32>)
    %masked_sort3A_274 = arith.xori %masked_sort3A_272, %masked_sort3A_269 : vector<16xi32>
    %add3A_275 = arith.addi %add3A_254, %iota3A : vector<16xi32>
    tpu.vector_store_idx %arg7[%add3A_275], %masked_sort3A_273 : memref<224xi32, #tpu.memory_space<vmem>>[vector<16xi32>], vector<16xi32>,
    %all_reduce_population_count3A_276 = tpu.all_reduce %gt3A_259 {dim = 0 : i64, kind = #tpu.reduction_kind<sum>} : vector<16xi1> -> vector<16xi32>
    %add3A_277 = arith.addi %add3A_254, %all_reduce_population_count3A_276 : vector<16xi32>
    %get3A_278 = arith.constant 0 : i32
    %get3A_279 = arith.index_cast %get3A_278 : i32 to index
    %get3A_280 = arith.constant 184 : index
    %get3A_281 = tpu.vector_load %arg5[%get3A_279, %get3A_280] {strides = array<i32>} : memref<32x200xi32, #tpu.memory_space<vmem>>, vector<16xi32>,
    %gt3A_282 = arith.cmpi sgt, %get3A_281, %broadcast_in_dim3A_3 : vector<16xi32>
    %broadcast_in_dim3A_283 = arith.constant 8 : i32
    %broadcast_in_dim3A_284 = vector.broadcast %broadcast_in_dim3A_283 : i32 to vector<16xi32>
    %ge3A = arith.cmpi sge, %iota3A, %broadcast_in_dim3A_284 : vector<16xi32>
    %and3A = arith.andi %gt3A_282, %ge3A : vector<16xi1>
    %broadcast_in_dim3A_285 = arith.constant 184 : i32
    %broadcast_in_dim3A_286 = vector.broadcast %broadcast_in_dim3A_285 : i32 to vector<16xi32>
    %add3A_287 = arith.addi %iota3A, %broadcast_in_dim3A_286 : vector<16xi32>
    %broadcast_in_dim3A_288 = arith.constant 4096 : i32
    %broadcast_in_dim3A_289 = vector.broadcast %broadcast_in_dim3A_288 : i32 to vector<16xi32>
    %add3A_290 = arith.addi %add3A_287, %broadcast_in_dim3A_289 : vector<16xi32>
    %select_n3A_291 = arith.select %and3A, %add3A_287, %add3A_290 : vector<16xi1>, vector<16xi32>
    %masked_sort3A_292 = arith.constant dense<true> : vector<16xi1>
    %masked_sort3A_293 = arith.constant -2147483648 : i32
    %masked_sort3A_294 = vector.broadcast %masked_sort3A_293 : i32 to vector<16xi32>
    %masked_sort3A_295 = arith.xori %select_n3A_291, %masked_sort3A_294 : vector<16xi32>
    %masked_sort3A_296, %masked_sort3A_297, %masked_sort3A_298 = tpu.sort %masked_sort3A_295, %add3A_287 masked %masked_sort3A_292 : (vector<16xi32>, vector<16xi32>, vector<16xi1>) -> (vector<16xi1>, vector<16xi32>, vector<16xi32>)
    %masked_sort3A_299 = arith.xori %masked_sort3A_297, %masked_sort3A_294 : vector<16xi32>
    %add3A_300 = arith.addi %add3A_277, %iota3A : vector<16xi32>
    tpu.vector_store_idx %arg7[%add3A_300], %masked_sort3A_298 : memref<224xi32, #tpu.memory_space<vmem>>[vector<16xi32>], vector<16xi32>,
    %all_reduce_population_count3A_301 = tpu.all_reduce %and3A {dim = 0 : i64, kind = #tpu.reduction_kind<sum>} : vector<16xi1> -> vector<16xi32>
    %add3A_302 = arith.addi %add3A_277, %all_reduce_population_count3A_301 : vector<16xi32>
    %max3A = arith.maxsi %add3A_302, %broadcast_in_dim3A_5 : vector<16xi32>
    %add3A_303 = arith.constant 0 : i32
    %add3A_304 = arith.addi %mul3A_2, %add3A_303 : i32
    %mul3A_305 = arith.constant 200 : i32
    %mul3A_306 = arith.muli %add3A_304, %mul3A_305 : i32
    %broadcast_in_dim3A_307 = vector.broadcast %mul3A_306 : i32 to vector<16xi32>
    %broadcast_in_dim3A_308 = arith.constant 1.000000e+00 : f32
    %broadcast_in_dim3A_309 = vector.broadcast %broadcast_in_dim3A_308 : f32 to vector<16xf32>
    %convert_element_type3A = arith.sitofp %max3A : vector<16xi32> to vector<16xf32>
    %div3A = arith.divf %broadcast_in_dim3A_309, %convert_element_type3A : vector<16xf32>
    %broadcast_in_dim3A_310 = arith.constant 2.44140625E-4 : f32
    %broadcast_in_dim3A_311 = vector.broadcast %broadcast_in_dim3A_310 : f32 to vector<16xf32>
    %convert_element_type3A_312 = arith.sitofp %iota3A : vector<16xi32> to vector<16xf32>
    %broadcast_in_dim3A_313 = arith.constant 0.000000e+00 : f32
    %broadcast_in_dim3A_314 = vector.broadcast %broadcast_in_dim3A_313 : f32 to vector<16xf32>
    %add3A_315 = arith.addf %convert_element_type3A_312, %broadcast_in_dim3A_314 : vector<16xf32>
    %mul3A_316 = arith.mulf %add3A_315, %div3A : vector<16xf32>
    %add3A_317 = arith.addf %mul3A_316, %broadcast_in_dim3A_311 : vector<16xf32>
    %convert_element_type3A_318 = arith.fptosi %add3A_317 : vector<16xf32> to vector<16xi32>
    %broadcast_in_dim3A_319 = arith.constant 0 : i32
    %broadcast_in_dim3A_320 = vector.broadcast %broadcast_in_dim3A_319 : i32 to vector<16xi32>
    %add3A_321 = arith.addi %iota3A, %broadcast_in_dim3A_320 : vector<16xi32>
    %mul3A_322 = arith.muli %max3A, %convert_element_type3A_318 : vector<16xi32>
    %sub3A = arith.subi %add3A_321, %mul3A_322 : vector<16xi32>
    %gather3A = tpu.vector_load_idx %arg7[%sub3A] : memref<224xi32, #tpu.memory_space<vmem>>[vector<16xi32>], vector<16xi32>,
    %add3A_323 = arith.addi %gather3A, %broadcast_in_dim3A_307 : vector<16xi32>
    %swap3A_324 = arith.constant 0 : index
    %swap3A_325 = tpu.vector_load %arg6[%swap3A_324] {strides = array<i32>} : memref<6656xi32, #tpu.memory_space<vmem>>, vector<16xi32>,
    tpu.vector_store %arg6[%swap3A_324], %add3A_323 {strides = array<i32>} : memref<6656xi32, #tpu.memory_space<vmem>>, vector<16xi32>,
    %broadcast_in_dim3A_326 = arith.constant 1.600000e+01 : f32
    %broadcast_in_dim3A_327 = vector.broadcast %broadcast_in_dim3A_326 : f32 to vector<16xf32>
    %add3A_328 = arith.addf %convert_element_type3A_312, %broadcast_in_dim3A_327 : vector<16xf32>
    %mul3A_329 = arith.mulf %add3A_328, %div3A : vector<16xf32>
    %add3A_330 = arith.addf %mul3A_329, %broadcast_in_dim3A_311 : vector<16xf32>
    %convert_element_type3A_331 = arith.fptosi %add3A_330 : vector<16xf32> to vector<16xi32>
    %broadcast_in_dim3A_332 = arith.constant 16 : i32
    %broadcast_in_dim3A_333 = vector.broadcast %broadcast_in_dim3A_332 : i32 to vector<16xi32>
    %add3A_334 = arith.addi %iota3A, %broadcast_in_dim3A_333 : vector<16xi32>
    %mul3A_335 = arith.muli %max3A, %convert_element_type3A_331 : vector<16xi32>
    %sub3A_336 = arith.subi %add3A_334, %mul3A_335 : vector<16xi32>
    %gather3A_337 = tpu.vector_load_idx %arg7[%sub3A_336] : memref<224xi32, #tpu.memory_space<vmem>>[vector<16xi32>], vector<16xi32>,
    %add3A_338 = arith.addi %gather3A_337, %broadcast_in_dim3A_307 : vector<16xi32>
    %swap3A_339 = arith.constant 16 : index
    %swap3A_340 = tpu.vector_load %arg6[%swap3A_339] {strides = array<i32>} : memref<6656xi32, #tpu.memory_space<vmem>>, vector<16xi32>,
    tpu.vector_store %arg6[%swap3A_339], %add3A_338 {strides = array<i32>} : memref<6656xi32, #tpu.memory_space<vmem>>, vector<16xi32>,
    %broadcast_in_dim3A_341 = arith.constant 3.200000e+01 : f32
    %broadcast_in_dim3A_342 = vector.broadcast %broadcast_in_dim3A_341 : f32 to vector<16xf32>
    %add3A_343 = arith.addf %convert_element_type3A_312, %broadcast_in_dim3A_342 : vector<16xf32>
    %mul3A_344 = arith.mulf %add3A_343, %div3A : vector<16xf32>
    %add3A_345 = arith.addf %mul3A_344, %broadcast_in_dim3A_311 : vector<16xf32>
    %convert_element_type3A_346 = arith.fptosi %add3A_345 : vector<16xf32> to vector<16xi32>
    %broadcast_in_dim3A_347 = arith.constant 32 : i32
    %broadcast_in_dim3A_348 = vector.broadcast %broadcast_in_dim3A_347 : i32 to vector<16xi32>
    %add3A_349 = arith.addi %iota3A, %broadcast_in_dim3A_348 : vector<16xi32>
    %mul3A_350 = arith.muli %max3A, %convert_element_type3A_346 : vector<16xi32>
    %sub3A_351 = arith.subi %add3A_349, %mul3A_350 : vector<16xi32>
    %gather3A_352 = tpu.vector_load_idx %arg7[%sub3A_351] : memref<224xi32, #tpu.memory_space<vmem>>[vector<16xi32>], vector<16xi32>,
    %add3A_353 = arith.addi %gather3A_352, %broadcast_in_dim3A_307 : vector<16xi32>
    %swap3A_354 = arith.constant 32 : index
    %swap3A_355 = tpu.vector_load %arg6[%swap3A_354] {strides = array<i32>} : memref<6656xi32, #tpu.memory_space<vmem>>, vector<16xi32>,
    tpu.vector_store %arg6[%swap3A_354], %add3A_353 {strides = array<i32>} : memref<6656xi32, #tpu.memory_space<vmem>>, vector<16xi32>,
    %broadcast_in_dim3A_356 = arith.constant 4.800000e+01 : f32
    %broadcast_in_dim3A_357 = vector.broadcast %broadcast_in_dim3A_356 : f32 to vector<16xf32>
    %add3A_358 = arith.addf %convert_element_type3A_312, %broadcast_in_dim3A_357 : vector<16xf32>
    %mul3A_359 = arith.mulf %add3A_358, %div3A : vector<16xf32>
    %add3A_360 = arith.addf %mul3A_359, %broadcast_in_dim3A_311 : vector<16xf32>
    %convert_element_type3A_361 = arith.fptosi %add3A_360 : vector<16xf32> to vector<16xi32>
    %broadcast_in_dim3A_362 = arith.constant 48 : i32
    %broadcast_in_dim3A_363 = vector.broadcast %broadcast_in_dim3A_362 : i32 to vector<16xi32>
    %add3A_364 = arith.addi %iota3A, %broadcast_in_dim3A_363 : vector<16xi32>
    %mul3A_365 = arith.muli %max3A, %convert_element_type3A_361 : vector<16xi32>
    %sub3A_366 = arith.subi %add3A_364, %mul3A_365 : vector<16xi32>
    %gather3A_367 = tpu.vector_load_idx %arg7[%sub3A_366] : memref<224xi32, #tpu.memory_space<vmem>>[vector<16xi32>], vector<16xi32>,
    %add3A_368 = arith.addi %gather3A_367, %broadcast_in_dim3A_307 : vector<16xi32>
    %swap3A_369 = arith.constant 48 : index
    %swap3A_370 = tpu.vector_load %arg6[%swap3A_369] {strides = array<i32>} : memref<6656xi32, #tpu.memory_space<vmem>>, vector<16xi32>,
    tpu.vector_store %arg6[%swap3A_369], %add3A_368 {strides = array<i32>} : memref<6656xi32, #tpu.memory_space<vmem>>, vector<16xi32>,
    %broadcast_in_dim3A_371 = arith.constant 6.400000e+01 : f32
    %broadcast_in_dim3A_372 = vector.broadcast %broadcast_in_dim3A_371 : f32 to vector<16xf32>
    %add3A_373 = arith.addf %convert_element_type3A_312, %broadcast_in_dim3A_372 : vector<16xf32>
    %mul3A_374 = arith.mulf %add3A_373, %div3A : vector<16xf32>
    %add3A_375 = arith.addf %mul3A_374, %broadcast_in_dim3A_311 : vector<16xf32>
    %convert_element_type3A_376 = arith.fptosi %add3A_375 : vector<16xf32> to vector<16xi32>
    %broadcast_in_dim3A_377 = arith.constant 64 : i32
    %broadcast_in_dim3A_378 = vector.broadcast %broadcast_in_dim3A_377 : i32 to vector<16xi32>
    %add3A_379 = arith.addi %iota3A, %broadcast_in_dim3A_378 : vector<16xi32>
    %mul3A_380 = arith.muli %max3A, %convert_element_type3A_376 : vector<16xi32>
    %sub3A_381 = arith.subi %add3A_379, %mul3A_380 : vector<16xi32>
    %gather3A_382 = tpu.vector_load_idx %arg7[%sub3A_381] : memref<224xi32, #tpu.memory_space<vmem>>[vector<16xi32>], vector<16xi32>,
    %add3A_383 = arith.addi %gather3A_382, %broadcast_in_dim3A_307 : vector<16xi32>
    %swap3A_384 = arith.constant 64 : index
    %swap3A_385 = tpu.vector_load %arg6[%swap3A_384] {strides = array<i32>} : memref<6656xi32, #tpu.memory_space<vmem>>, vector<16xi32>,
    tpu.vector_store %arg6[%swap3A_384], %add3A_383 {strides = array<i32>} : memref<6656xi32, #tpu.memory_space<vmem>>, vector<16xi32>,
    %broadcast_in_dim3A_386 = arith.constant 8.000000e+01 : f32
    %broadcast_in_dim3A_387 = vector.broadcast %broadcast_in_dim3A_386 : f32 to vector<16xf32>
    %add3A_388 = arith.addf %convert_element_type3A_312, %broadcast_in_dim3A_387 : vector<16xf32>
    %mul3A_389 = arith.mulf %add3A_388, %div3A : vector<16xf32>
    %add3A_390 = arith.addf %mul3A_389, %broadcast_in_dim3A_311 : vector<16xf32>
    %convert_element_type3A_391 = arith.fptosi %add3A_390 : vector<16xf32> to vector<16xi32>
    %broadcast_in_dim3A_392 = arith.constant 80 : i32
    %broadcast_in_dim3A_393 = vector.broadcast %broadcast_in_dim3A_392 : i32 to vector<16xi32>
    %add3A_394 = arith.addi %iota3A, %broadcast_in_dim3A_393 : vector<16xi32>
    %mul3A_395 = arith.muli %max3A, %convert_element_type3A_391 : vector<16xi32>
    %sub3A_396 = arith.subi %add3A_394, %mul3A_395 : vector<16xi32>
    %gather3A_397 = tpu.vector_load_idx %arg7[%sub3A_396] : memref<224xi32, #tpu.memory_space<vmem>>[vector<16xi32>], vector<16xi32>,
    %add3A_398 = arith.addi %gather3A_397, %broadcast_in_dim3A_307 : vector<16xi32>
    %swap3A_399 = arith.constant 80 : index
    %swap3A_400 = tpu.vector_load %arg6[%swap3A_399] {strides = array<i32>} : memref<6656xi32, #tpu.memory_space<vmem>>, vector<16xi32>,
    tpu.vector_store %arg6[%swap3A_399], %add3A_398 {strides = array<i32>} : memref<6656xi32, #tpu.memory_space<vmem>>, vector<16xi32>,
    %broadcast_in_dim3A_401 = arith.constant 9.600000e+01 : f32
    %broadcast_in_dim3A_402 = vector.broadcast %broadcast_in_dim3A_401 : f32 to vector<16xf32>
    %add3A_403 = arith.addf %convert_element_type3A_312, %broadcast_in_dim3A_402 : vector<16xf32>
    %mul3A_404 = arith.mulf %add3A_403, %div3A : vector<16xf32>
    %add3A_405 = arith.addf %mul3A_404, %broadcast_in_dim3A_311 : vector<16xf32>
    %convert_element_type3A_406 = arith.fptosi %add3A_405 : vector<16xf32> to vector<16xi32>
    %broadcast_in_dim3A_407 = arith.constant 96 : i32
    %broadcast_in_dim3A_408 = vector.broadcast %broadcast_in_dim3A_407 : i32 to vector<16xi32>
    %add3A_409 = arith.addi %iota3A, %broadcast_in_dim3A_408 : vector<16xi32>
    %mul3A_410 = arith.muli %max3A, %convert_element_type3A_406 : vector<16xi32>
    %sub3A_411 = arith.subi %add3A_409, %mul3A_410 : vector<16xi32>
    %gather3A_412 = tpu.vector_load_idx %arg7[%sub3A_411] : memref<224xi32, #tpu.memory_space<vmem>>[vector<16xi32>], vector<16xi32>,
    %add3A_413 = arith.addi %gather3A_412, %broadcast_in_dim3A_307 : vector<16xi32>
    %swap3A_414 = arith.constant 96 : index
    %swap3A_415 = tpu.vector_load %arg6[%swap3A_414] {strides = array<i32>} : memref<6656xi32, #tpu.memory_space<vmem>>, vector<16xi32>,
    tpu.vector_store %arg6[%swap3A_414], %add3A_413 {strides = array<i32>} : memref<6656xi32, #tpu.memory_space<vmem>>, vector<16xi32>,
    %broadcast_in_dim3A_416 = arith.constant 1.120000e+02 : f32
    %broadcast_in_dim3A_417 = vector.broadcast %broadcast_in_dim3A_416 : f32 to vector<16xf32>
    %add3A_418 = arith.addf %convert_element_type3A_312, %broadcast_in_dim3A_417 : vector<16xf32>
    %mul3A_419 = arith.mulf %add3A_418, %div3A : vector<16xf32>
    %add3A_420 = arith.addf %mul3A_419, %broadcast_in_dim3A_311 : vector<16xf32>
    %convert_element_type3A_421 = arith.fptosi %add3A_420 : vector<16xf32> to vector<16xi32>
    %broadcast_in_dim3A_422 = arith.constant 112 : i32
    %broadcast_in_dim3A_423 = vector.broadcast %broadcast_in_dim3A_422 : i32 to vector<16xi32>
    %add3A_424 = arith.addi %iota3A, %broadcast_in_dim3A_423 : vector<16xi32>
    %mul3A_425 = arith.muli %max3A, %convert_element_type3A_421 : vector<16xi32>
    %sub3A_426 = arith.subi %add3A_424, %mul3A_425 : vector<16xi32>
    %gather3A_427 = tpu.vector_load_idx %arg7[%sub3A_426] : memref<224xi32, #tpu.memory_space<vmem>>[vector<16xi32>], vector<16xi32>,
    %add3A_428 = arith.addi %gather3A_427, %broadcast_in_dim3A_307 : vector<16xi32>
    %swap3A_429 = arith.constant 112 : index
    %swap3A_430 = tpu.vector_load %arg6[%swap3A_429] {strides = array<i32>} : memref<6656xi32, #tpu.memory_space<vmem>>, vector<16xi32>,
    tpu.vector_store %arg6[%swap3A_429], %add3A_428 {strides = array<i32>} : memref<6656xi32, #tpu.memory_space<vmem>>, vector<16xi32>,
    %broadcast_in_dim3A_431 = arith.constant 1.280000e+02 : f32
    %broadcast_in_dim3A_432 = vector.broadcast %broadcast_in_dim3A_431 : f32 to vector<16xf32>
    %add3A_433 = arith.addf %convert_element_type3A_312, %broadcast_in_dim3A_432 : vector<16xf32>
    %mul3A_434 = arith.mulf %add3A_433, %div3A : vector<16xf32>
    %add3A_435 = arith.addf %mul3A_434, %broadcast_in_dim3A_311 : vector<16xf32>
    %convert_element_type3A_436 = arith.fptosi %add3A_435 : vector<16xf32> to vector<16xi32>
    %broadcast_in_dim3A_437 = arith.constant 128 : i32
    %broadcast_in_dim3A_438 = vector.broadcast %broadcast_in_dim3A_437 : i32 to vector<16xi32>
    %add3A_439 = arith.addi %iota3A, %broadcast_in_dim3A_438 : vector<16xi32>
    %mul3A_440 = arith.muli %max3A, %convert_element_type3A_436 : vector<16xi32>
    %sub3A_441 = arith.subi %add3A_439, %mul3A_440 : vector<16xi32>
    %gather3A_442 = tpu.vector_load_idx %arg7[%sub3A_441] : memref<224xi32, #tpu.memory_space<vmem>>[vector<16xi32>], vector<16xi32>,
    %add3A_443 = arith.addi %gather3A_442, %broadcast_in_dim3A_307 : vector<16xi32>
    %swap3A_444 = arith.constant 128 : index
    %swap3A_445 = tpu.vector_load %arg6[%swap3A_444] {strides = array<i32>} : memref<6656xi32, #tpu.memory_space<vmem>>, vector<16xi32>,
    tpu.vector_store %arg6[%swap3A_444], %add3A_443 {strides = array<i32>} : memref<6656xi32, #tpu.memory_space<vmem>>, vector<16xi32>,
    %broadcast_in_dim3A_446 = arith.constant 1.440000e+02 : f32
    %broadcast_in_dim3A_447 = vector.broadcast %broadcast_in_dim3A_446 : f32 to vector<16xf32>
    %add3A_448 = arith.addf %convert_element_type3A_312, %broadcast_in_dim3A_447 : vector<16xf32>
    %mul3A_449 = arith.mulf %add3A_448, %div3A : vector<16xf32>
    %add3A_450 = arith.addf %mul3A_449, %broadcast_in_dim3A_311 : vector<16xf32>
    %convert_element_type3A_451 = arith.fptosi %add3A_450 : vector<16xf32> to vector<16xi32>
    %broadcast_in_dim3A_452 = arith.constant 144 : i32
    %broadcast_in_dim3A_453 = vector.broadcast %broadcast_in_dim3A_452 : i32 to vector<16xi32>
    %add3A_454 = arith.addi %iota3A, %broadcast_in_dim3A_453 : vector<16xi32>
    %mul3A_455 = arith.muli %max3A, %convert_element_type3A_451 : vector<16xi32>
    %sub3A_456 = arith.subi %add3A_454, %mul3A_455 : vector<16xi32>
    %gather3A_457 = tpu.vector_load_idx %arg7[%sub3A_456] : memref<224xi32, #tpu.memory_space<vmem>>[vector<16xi32>], vector<16xi32>,
    %add3A_458 = arith.addi %gather3A_457, %broadcast_in_dim3A_307 : vector<16xi32>
    %swap3A_459 = arith.constant 144 : index
    %swap3A_460 = tpu.vector_load %arg6[%swap3A_459] {strides = array<i32>} : memref<6656xi32, #tpu.memory_space<vmem>>, vector<16xi32>,
    tpu.vector_store %arg6[%swap3A_459], %add3A_458 {strides = array<i32>} : memref<6656xi32, #tpu.memory_space<vmem>>, vector<16xi32>,
    %broadcast_in_dim3A_461 = arith.constant 1.600000e+02 : f32
    %broadcast_in_dim3A_462 = vector.broadcast %broadcast_in_dim3A_461 : f32 to vector<16xf32>
    %add3A_463 = arith.addf %convert_element_type3A_312, %broadcast_in_dim3A_462 : vector<16xf32>
    %mul3A_464 = arith.mulf %add3A_463, %div3A : vector<16xf32>
    %add3A_465 = arith.addf %mul3A_464, %broadcast_in_dim3A_311 : vector<16xf32>
    %convert_element_type3A_466 = arith.fptosi %add3A_465 : vector<16xf32> to vector<16xi32>
    %broadcast_in_dim3A_467 = arith.constant 160 : i32
    %broadcast_in_dim3A_468 = vector.broadcast %broadcast_in_dim3A_467 : i32 to vector<16xi32>
    %add3A_469 = arith.addi %iota3A, %broadcast_in_dim3A_468 : vector<16xi32>
    %mul3A_470 = arith.muli %max3A, %convert_element_type3A_466 : vector<16xi32>
    %sub3A_471 = arith.subi %add3A_469, %mul3A_470 : vector<16xi32>
    %gather3A_472 = tpu.vector_load_idx %arg7[%sub3A_471] : memref<224xi32, #tpu.memory_space<vmem>>[vector<16xi32>], vector<16xi32>,
    %add3A_473 = arith.addi %gather3A_472, %broadcast_in_dim3A_307 : vector<16xi32>
    %swap3A_474 = arith.constant 160 : index
    %swap3A_475 = tpu.vector_load %arg6[%swap3A_474] {strides = array<i32>} : memref<6656xi32, #tpu.memory_space<vmem>>, vector<16xi32>,
    tpu.vector_store %arg6[%swap3A_474], %add3A_473 {strides = array<i32>} : memref<6656xi32, #tpu.memory_space<vmem>>, vector<16xi32>,
    %broadcast_in_dim3A_476 = arith.constant 1.760000e+02 : f32
    %broadcast_in_dim3A_477 = vector.broadcast %broadcast_in_dim3A_476 : f32 to vector<16xf32>
    %add3A_478 = arith.addf %convert_element_type3A_312, %broadcast_in_dim3A_477 : vector<16xf32>
    %mul3A_479 = arith.mulf %add3A_478, %div3A : vector<16xf32>
    %add3A_480 = arith.addf %mul3A_479, %broadcast_in_dim3A_311 : vector<16xf32>
    %convert_element_type3A_481 = arith.fptosi %add3A_480 : vector<16xf32> to vector<16xi32>
    %broadcast_in_dim3A_482 = arith.constant 176 : i32
    %broadcast_in_dim3A_483 = vector.broadcast %broadcast_in_dim3A_482 : i32 to vector<16xi32>
    %add3A_484 = arith.addi %iota3A, %broadcast_in_dim3A_483 : vector<16xi32>
    %mul3A_485 = arith.muli %max3A, %convert_element_type3A_481 : vector<16xi32>
    %sub3A_486 = arith.subi %add3A_484, %mul3A_485 : vector<16xi32>
    %gather3A_487 = tpu.vector_load_idx %arg7[%sub3A_486] : memref<224xi32, #tpu.memory_space<vmem>>[vector<16xi32>], vector<16xi32>,
    %add3A_488 = arith.addi %gather3A_487, %broadcast_in_dim3A_307 : vector<16xi32>
    %swap3A_489 = arith.constant 176 : index
    %swap3A_490 = tpu.vector_load %arg6[%swap3A_489] {strides = array<i32>} : memref<6656xi32, #tpu.memory_space<vmem>>, vector<16xi32>,
    tpu.vector_store %arg6[%swap3A_489], %add3A_488 {strides = array<i32>} : memref<6656xi32, #tpu.memory_space<vmem>>, vector<16xi32>,
    %broadcast_in_dim3A_491 = arith.constant 1.920000e+02 : f32
    %broadcast_in_dim3A_492 = vector.broadcast %broadcast_in_dim3A_491 : f32 to vector<16xf32>
    %add3A_493 = arith.addf %convert_element_type3A_312, %broadcast_in_dim3A_492 : vector<16xf32>
    %mul3A_494 = arith.mulf %add3A_493, %div3A : vector<16xf32>
    %add3A_495 = arith.addf %mul3A_494, %broadcast_in_dim3A_311 : vector<16xf32>
    %convert_element_type3A_496 = arith.fptosi %add3A_495 : vector<16xf32> to vector<16xi32>
    %broadcast_in_dim3A_497 = arith.constant 192 : i32
    %broadcast_in_dim3A_498 = vector.broadcast %broadcast_in_dim3A_497 : i32 to vector<16xi32>
    %add3A_499 = arith.addi %iota3A, %broadcast_in_dim3A_498 : vector<16xi32>
    %mul3A_500 = arith.muli %max3A, %convert_element_type3A_496 : vector<16xi32>
    %sub3A_501 = arith.subi %add3A_499, %mul3A_500 : vector<16xi32>
    %gather3A_502 = tpu.vector_load_idx %arg7[%sub3A_501] : memref<224xi32, #tpu.memory_space<vmem>>[vector<16xi32>], vector<16xi32>,
    %add3A_503 = arith.addi %gather3A_502, %broadcast_in_dim3A_307 : vector<16xi32>
    %swap3A_504 = arith.constant 192 : index
    %swap3A_505 = tpu.vector_load %arg6[%swap3A_504] {strides = array<i32>} : memref<6656xi32, #tpu.memory_space<vmem>>, vector<16xi32>,
    tpu.vector_store %arg6[%swap3A_504], %add3A_503 {strides = array<i32>} : memref<6656xi32, #tpu.memory_space<vmem>>, vector<16xi32>,
    %dma_start3A = arith.constant 0 : i32
    %dma_start3A_506 = arith.constant 0 : i32
    %dma_start3A_507 = arith.constant 0 : i32
    %dma_start3A_508 = tpu.memref_slice %arg8[%dma_start3A, %dma_start3A_506, %dma_start3A_507] : memref<4x200x128xf32, #tpu.memory_space<vmem>> -> memref<1x128x128xf32, #tpu.memory_space<vmem>>
    %dma_start3A_509 = tpu.memref_squeeze %dma_start3A_508 : memref<1x128x128xf32, #tpu.memory_space<vmem>> -> memref<128x128xf32, #tpu.memory_space<vmem>>
    %dma_start3A_510 = arith.constant 0 : i32
    %dma_start3A_511 = tpu.memref_slice %arg6[%dma_start3A_510] : memref<6656xi32, #tpu.memory_space<vmem>> -> memref<128xi32, #tpu.memory_space<vmem>>
    %dma_start3A_512 = arith.constant 0 : i32
    %dma_start3A_513 = arith.constant 0 : i32
    %dma_start3A_514 = tpu.memref_slice %arg3[%dma_start3A_512, %dma_start3A_513] : memref<204800x128xf32, #tpu.memory_space<hbm>> -> memref<204800x128xf32, #tpu.memory_space<hbm>>
    tpu.enqueue_indirect_dma source(%dma_start3A_514 : memref<204800x128xf32, #tpu.memory_space<hbm>>) target(%dma_start3A_509 : memref<128x128xf32, #tpu.memory_space<vmem>>) offsets(%dma_start3A_511 : memref<128xi32, #tpu.memory_space<vmem>>) semaphore(%arg9 : memref<!tpu.dma_semaphore, #tpu.memory_space<semaphore_mem>>)
    %dma_start3A_515 = arith.constant 0 : i32
    %dma_start3A_516 = arith.constant 128 : i32
    %dma_start3A_517 = arith.constant 0 : i32
    %dma_start3A_518 = tpu.memref_slice %arg8[%dma_start3A_515, %dma_start3A_516, %dma_start3A_517] : memref<4x200x128xf32, #tpu.memory_space<vmem>> -> memref<1x72x128xf32, #tpu.memory_space<vmem>>
    %dma_start3A_519 = tpu.memref_squeeze %dma_start3A_518 : memref<1x72x128xf32, #tpu.memory_space<vmem>> -> memref<72x128xf32, #tpu.memory_space<vmem>>
    %dma_start3A_520 = arith.constant 128 : i32
    %dma_start3A_521 = tpu.memref_slice %arg6[%dma_start3A_520] : memref<6656xi32, #tpu.memory_space<vmem>> -> memref<72xi32, #tpu.memory_space<vmem>>
    %dma_start3A_522 = arith.constant 0 : i32
    %dma_start3A_523 = arith.constant 0 : i32
    %dma_start3A_524 = tpu.memref_slice %arg3[%dma_start3A_522, %dma_start3A_523] : memref<204800x128xf32, #tpu.memory_space<hbm>> -> memref<204800x128xf32, #tpu.memory_space<hbm>>
    tpu.enqueue_indirect_dma source(%dma_start3A_524 : memref<204800x128xf32, #tpu.memory_space<hbm>>) target(%dma_start3A_519 : memref<72x128xf32, #tpu.memory_space<vmem>>) offsets(%dma_start3A_521 : memref<72xi32, #tpu.memory_space<vmem>>) semaphore(%arg9 : memref<!tpu.dma_semaphore, #tpu.memory_space<semaphore_mem>>)
    %scan3A = arith.constant 0 : i32
    %scan3A_525 = arith.constant 1 : i32
    %scan3A_526 = arith.constant 31 : i32
    %scan3A_527 = arith.addi %scan3A_525, %scan3A_526 : i32
    %scan3A_528 = arith.constant 1 : i32
    scf.for %scan3A_626 = %scan3A_525 to %scan3A_527 step %scan3A_528  : i32 {
      %rem3A = arith.constant 4 : i32
      %rem3A_627 = arith.remsi %scan3A_626, %rem3A : i32
      %swap3A_628 = arith.constant 0 : index
      %swap3A_629 = tpu.vector_load %arg7[%swap3A_628] {strides = array<i32>} : memref<224xi32, #tpu.memory_space<vmem>>, vector<16xi32>,
      tpu.vector_store %arg7[%swap3A_628], %broadcast_in_dim3A_3 {strides = array<i32>} : memref<224xi32, #tpu.memory_space<vmem>>, vector<16xi32>,
      %get3A_630 = arith.index_cast %scan3A_626 : i32 to index
      %get3A_631 = arith.constant 0 : index
      %get3A_632 = tpu.vector_load %arg5[%get3A_630, %get3A_631] {strides = array<i32>} : memref<32x200xi32, #tpu.memory_space<vmem>>, vector<16xi32>,
      %gt3A_633 = arith.cmpi sgt, %get3A_632, %broadcast_in_dim3A_3 : vector<16xi32>
      %broadcast_in_dim3A_634 = arith.constant 0 : i32
      %broadcast_in_dim3A_635 = vector.broadcast %broadcast_in_dim3A_634 : i32 to vector<16xi32>
      %add3A_636 = arith.addi %iota3A, %broadcast_in_dim3A_635 : vector<16xi32>
      %broadcast_in_dim3A_637 = arith.constant 4096 : i32
      %broadcast_in_dim3A_638 = vector.broadcast %broadcast_in_dim3A_637 : i32 to vector<16xi32>
      %add3A_639 = arith.addi %add3A_636, %broadcast_in_dim3A_638 : vector<16xi32>
      %select_n3A_640 = arith.select %gt3A_633, %add3A_636, %add3A_639 : vector<16xi1>, vector<16xi32>
      %masked_sort3A_641 = arith.constant dense<true> : vector<16xi1>
      %masked_sort3A_642 = arith.constant -2147483648 : i32
      %masked_sort3A_643 = vector.broadcast %masked_sort3A_642 : i32 to vector<16xi32>
      %masked_sort3A_644 = arith.xori %select_n3A_640, %masked_sort3A_643 : vector<16xi32>
      %masked_sort3A_645, %masked_sort3A_646, %masked_sort3A_647 = tpu.sort %masked_sort3A_644, %add3A_636 masked %masked_sort3A_641 : (vector<16xi32>, vector<16xi32>, vector<16xi1>) -> (vector<16xi1>, vector<16xi32>, vector<16xi32>)
      %masked_sort3A_648 = arith.xori %masked_sort3A_646, %masked_sort3A_643 : vector<16xi32>
      %add3A_649 = arith.addi %broadcast_in_dim3A_3, %iota3A : vector<16xi32>
      tpu.vector_store_idx %arg7[%add3A_649], %masked_sort3A_647 : memref<224xi32, #tpu.memory_space<vmem>>[vector<16xi32>], vector<16xi32>,
      %all_reduce_population_count3A_650 = tpu.all_reduce %gt3A_633 {dim = 0 : i64, kind = #tpu.reduction_kind<sum>} : vector<16xi1> -> vector<16xi32>
      %add3A_651 = arith.addi %broadcast_in_dim3A_3, %all_reduce_population_count3A_650 : vector<16xi32>
      %get3A_652 = arith.index_cast %scan3A_626 : i32 to index
      %get3A_653 = arith.constant 16 : index
      %get3A_654 = tpu.vector_load %arg5[%get3A_652, %get3A_653] {strides = array<i32>} : memref<32x200xi32, #tpu.memory_space<vmem>>, vector<16xi32>,
      %gt3A_655 = arith.cmpi sgt, %get3A_654, %broadcast_in_dim3A_3 : vector<16xi32>
      %broadcast_in_dim3A_656 = arith.constant 16 : i32
      %broadcast_in_dim3A_657 = vector.broadcast %broadcast_in_dim3A_656 : i32 to vector<16xi32>
      %add3A_658 = arith.addi %iota3A, %broadcast_in_dim3A_657 : vector<16xi32>
      %broadcast_in_dim3A_659 = arith.constant 4096 : i32
      %broadcast_in_dim3A_660 = vector.broadcast %broadcast_in_dim3A_659 : i32 to vector<16xi32>
      %add3A_661 = arith.addi %add3A_658, %broadcast_in_dim3A_660 : vector<16xi32>
      %select_n3A_662 = arith.select %gt3A_655, %add3A_658, %add3A_661 : vector<16xi1>, vector<16xi32>
      %masked_sort3A_663 = arith.constant dense<true> : vector<16xi1>
      %masked_sort3A_664 = arith.constant -2147483648 : i32
      %masked_sort3A_665 = vector.broadcast %masked_sort3A_664 : i32 to vector<16xi32>
      %masked_sort3A_666 = arith.xori %select_n3A_662, %masked_sort3A_665 : vector<16xi32>
      %masked_sort3A_667, %masked_sort3A_668, %masked_sort3A_669 = tpu.sort %masked_sort3A_666, %add3A_658 masked %masked_sort3A_663 : (vector<16xi32>, vector<16xi32>, vector<16xi1>) -> (vector<16xi1>, vector<16xi32>, vector<16xi32>)
      %masked_sort3A_670 = arith.xori %masked_sort3A_668, %masked_sort3A_665 : vector<16xi32>
      %add3A_671 = arith.addi %add3A_651, %iota3A : vector<16xi32>
      tpu.vector_store_idx %arg7[%add3A_671], %masked_sort3A_669 : memref<224xi32, #tpu.memory_space<vmem>>[vector<16xi32>], vector<16xi32>,
      %all_reduce_population_count3A_672 = tpu.all_reduce %gt3A_655 {dim = 0 : i64, kind = #tpu.reduction_kind<sum>} : vector<16xi1> -> vector<16xi32>
      %add3A_673 = arith.addi %add3A_651, %all_reduce_population_count3A_672 : vector<16xi32>
      %get3A_674 = arith.index_cast %scan3A_626 : i32 to index
      %get3A_675 = arith.constant 32 : index
      %get3A_676 = tpu.vector_load %arg5[%get3A_674, %get3A_675] {strides = array<i32>} : memref<32x200xi32, #tpu.memory_space<vmem>>, vector<16xi32>,
      %gt3A_677 = arith.cmpi sgt, %get3A_676, %broadcast_in_dim3A_3 : vector<16xi32>
      %broadcast_in_dim3A_678 = arith.constant 32 : i32
      %broadcast_in_dim3A_679 = vector.broadcast %broadcast_in_dim3A_678 : i32 to vector<16xi32>
      %add3A_680 = arith.addi %iota3A, %broadcast_in_dim3A_679 : vector<16xi32>
      %broadcast_in_dim3A_681 = arith.constant 4096 : i32
      %broadcast_in_dim3A_682 = vector.broadcast %broadcast_in_dim3A_681 : i32 to vector<16xi32>
      %add3A_683 = arith.addi %add3A_680, %broadcast_in_dim3A_682 : vector<16xi32>
      %select_n3A_684 = arith.select %gt3A_677, %add3A_680, %add3A_683 : vector<16xi1>, vector<16xi32>
      %masked_sort3A_685 = arith.constant dense<true> : vector<16xi1>
      %masked_sort3A_686 = arith.constant -2147483648 : i32
      %masked_sort3A_687 = vector.broadcast %masked_sort3A_686 : i32 to vector<16xi32>
      %masked_sort3A_688 = arith.xori %select_n3A_684, %masked_sort3A_687 : vector<16xi32>
      %masked_sort3A_689, %masked_sort3A_690, %masked_sort3A_691 = tpu.sort %masked_sort3A_688, %add3A_680 masked %masked_sort3A_685 : (vector<16xi32>, vector<16xi32>, vector<16xi1>) -> (vector<16xi1>, vector<16xi32>, vector<16xi32>)
      %masked_sort3A_692 = arith.xori %masked_sort3A_690, %masked_sort3A_687 : vector<16xi32>
      %add3A_693 = arith.addi %add3A_673, %iota3A : vector<16xi32>
      tpu.vector_store_idx %arg7[%add3A_693], %masked_sort3A_691 : memref<224xi32, #tpu.memory_space<vmem>>[vector<16xi32>], vector<16xi32>,
      %all_reduce_population_count3A_694 = tpu.all_reduce %gt3A_677 {dim = 0 : i64, kind = #tpu.reduction_kind<sum>} : vector<16xi1> -> vector<16xi32>
      %add3A_695 = arith.addi %add3A_673, %all_reduce_population_count3A_694 : vector<16xi32>
      %get3A_696 = arith.index_cast %scan3A_626 : i32 to index
      %get3A_697 = arith.constant 48 : index
      %get3A_698 = tpu.vector_load %arg5[%get3A_696, %get3A_697] {strides = array<i32>} : memref<32x200xi32, #tpu.memory_space<vmem>>, vector<16xi32>,
      %gt3A_699 = arith.cmpi sgt, %get3A_698, %broadcast_in_dim3A_3 : vector<16xi32>
      %broadcast_in_dim3A_700 = arith.constant 48 : i32
      %broadcast_in_dim3A_701 = vector.broadcast %broadcast_in_dim3A_700 : i32 to vector<16xi32>
      %add3A_702 = arith.addi %iota3A, %broadcast_in_dim3A_701 : vector<16xi32>
      %broadcast_in_dim3A_703 = arith.constant 4096 : i32
      %broadcast_in_dim3A_704 = vector.broadcast %broadcast_in_dim3A_703 : i32 to vector<16xi32>
      %add3A_705 = arith.addi %add3A_702, %broadcast_in_dim3A_704 : vector<16xi32>
      %select_n3A_706 = arith.select %gt3A_699, %add3A_702, %add3A_705 : vector<16xi1>, vector<16xi32>
      %masked_sort3A_707 = arith.constant dense<true> : vector<16xi1>
      %masked_sort3A_708 = arith.constant -2147483648 : i32
      %masked_sort3A_709 = vector.broadcast %masked_sort3A_708 : i32 to vector<16xi32>
      %masked_sort3A_710 = arith.xori %select_n3A_706, %masked_sort3A_709 : vector<16xi32>
      %masked_sort3A_711, %masked_sort3A_712, %masked_sort3A_713 = tpu.sort %masked_sort3A_710, %add3A_702 masked %masked_sort3A_707 : (vector<16xi32>, vector<16xi32>, vector<16xi1>) -> (vector<16xi1>, vector<16xi32>, vector<16xi32>)
      %masked_sort3A_714 = arith.xori %masked_sort3A_712, %masked_sort3A_709 : vector<16xi32>
      %add3A_715 = arith.addi %add3A_695, %iota3A : vector<16xi32>
      tpu.vector_store_idx %arg7[%add3A_715], %masked_sort3A_713 : memref<224xi32, #tpu.memory_space<vmem>>[vector<16xi32>], vector<16xi32>,
      %all_reduce_population_count3A_716 = tpu.all_reduce %gt3A_699 {dim = 0 : i64, kind = #tpu.reduction_kind<sum>} : vector<16xi1> -> vector<16xi32>
      %add3A_717 = arith.addi %add3A_695, %all_reduce_population_count3A_716 : vector<16xi32>
      %get3A_718 = arith.index_cast %scan3A_626 : i32 to index
      %get3A_719 = arith.constant 64 : index
      %get3A_720 = tpu.vector_load %arg5[%get3A_718, %get3A_719] {strides = array<i32>} : memref<32x200xi32, #tpu.memory_space<vmem>>, vector<16xi32>,
      %gt3A_721 = arith.cmpi sgt, %get3A_720, %broadcast_in_dim3A_3 : vector<16xi32>
      %broadcast_in_dim3A_722 = arith.constant 64 : i32
      %broadcast_in_dim3A_723 = vector.broadcast %broadcast_in_dim3A_722 : i32 to vector<16xi32>
      %add3A_724 = arith.addi %iota3A, %broadcast_in_dim3A_723 : vector<16xi32>
      %broadcast_in_dim3A_725 = arith.constant 4096 : i32
      %broadcast_in_dim3A_726 = vector.broadcast %broadcast_in_dim3A_725 : i32 to vector<16xi32>
      %add3A_727 = arith.addi %add3A_724, %broadcast_in_dim3A_726 : vector<16xi32>
      %select_n3A_728 = arith.select %gt3A_721, %add3A_724, %add3A_727 : vector<16xi1>, vector<16xi32>
      %masked_sort3A_729 = arith.constant dense<true> : vector<16xi1>
      %masked_sort3A_730 = arith.constant -2147483648 : i32
      %masked_sort3A_731 = vector.broadcast %masked_sort3A_730 : i32 to vector<16xi32>
      %masked_sort3A_732 = arith.xori %select_n3A_728, %masked_sort3A_731 : vector<16xi32>
      %masked_sort3A_733, %masked_sort3A_734, %masked_sort3A_735 = tpu.sort %masked_sort3A_732, %add3A_724 masked %masked_sort3A_729 : (vector<16xi32>, vector<16xi32>, vector<16xi1>) -> (vector<16xi1>, vector<16xi32>, vector<16xi32>)
      %masked_sort3A_736 = arith.xori %masked_sort3A_734, %masked_sort3A_731 : vector<16xi32>
      %add3A_737 = arith.addi %add3A_717, %iota3A : vector<16xi32>
      tpu.vector_store_idx %arg7[%add3A_737], %masked_sort3A_735 : memref<224xi32, #tpu.memory_space<vmem>>[vector<16xi32>], vector<16xi32>,
      %all_reduce_population_count3A_738 = tpu.all_reduce %gt3A_721 {dim = 0 : i64, kind = #tpu.reduction_kind<sum>} : vector<16xi1> -> vector<16xi32>
      %add3A_739 = arith.addi %add3A_717, %all_reduce_population_count3A_738 : vector<16xi32>
      %get3A_740 = arith.index_cast %scan3A_626 : i32 to index
      %get3A_741 = arith.constant 80 : index
      %get3A_742 = tpu.vector_load %arg5[%get3A_740, %get3A_741] {strides = array<i32>} : memref<32x200xi32, #tpu.memory_space<vmem>>, vector<16xi32>,
      %gt3A_743 = arith.cmpi sgt, %get3A_742, %broadcast_in_dim3A_3 : vector<16xi32>
      %broadcast_in_dim3A_744 = arith.constant 80 : i32
      %broadcast_in_dim3A_745 = vector.broadcast %broadcast_in_dim3A_744 : i32 to vector<16xi32>
      %add3A_746 = arith.addi %iota3A, %broadcast_in_dim3A_745 : vector<16xi32>
      %broadcast_in_dim3A_747 = arith.constant 4096 : i32
      %broadcast_in_dim3A_748 = vector.broadcast %broadcast_in_dim3A_747 : i32 to vector<16xi32>
      %add3A_749 = arith.addi %add3A_746, %broadcast_in_dim3A_748 : vector<16xi32>
      %select_n3A_750 = arith.select %gt3A_743, %add3A_746, %add3A_749 : vector<16xi1>, vector<16xi32>
      %masked_sort3A_751 = arith.constant dense<true> : vector<16xi1>
      %masked_sort3A_752 = arith.constant -2147483648 : i32
      %masked_sort3A_753 = vector.broadcast %masked_sort3A_752 : i32 to vector<16xi32>
      %masked_sort3A_754 = arith.xori %select_n3A_750, %masked_sort3A_753 : vector<16xi32>
      %masked_sort3A_755, %masked_sort3A_756, %masked_sort3A_757 = tpu.sort %masked_sort3A_754, %add3A_746 masked %masked_sort3A_751 : (vector<16xi32>, vector<16xi32>, vector<16xi1>) -> (vector<16xi1>, vector<16xi32>, vector<16xi32>)
      %masked_sort3A_758 = arith.xori %masked_sort3A_756, %masked_sort3A_753 : vector<16xi32>
      %add3A_759 = arith.addi %add3A_739, %iota3A : vector<16xi32>
      tpu.vector_store_idx %arg7[%add3A_759], %masked_sort3A_757 : memref<224xi32, #tpu.memory_space<vmem>>[vector<16xi32>], vector<16xi32>,
      %all_reduce_population_count3A_760 = tpu.all_reduce %gt3A_743 {dim = 0 : i64, kind = #tpu.reduction_kind<sum>} : vector<16xi1> -> vector<16xi32>
      %add3A_761 = arith.addi %add3A_739, %all_reduce_population_count3A_760 : vector<16xi32>
      %get3A_762 = arith.index_cast %scan3A_626 : i32 to index
      %get3A_763 = arith.constant 96 : index
      %get3A_764 = tpu.vector_load %arg5[%get3A_762, %get3A_763] {strides = array<i32>} : memref<32x200xi32, #tpu.memory_space<vmem>>, vector<16xi32>,
      %gt3A_765 = arith.cmpi sgt, %get3A_764, %broadcast_in_dim3A_3 : vector<16xi32>
      %broadcast_in_dim3A_766 = arith.constant 96 : i32
      %broadcast_in_dim3A_767 = vector.broadcast %broadcast_in_dim3A_766 : i32 to vector<16xi32>
      %add3A_768 = arith.addi %iota3A, %broadcast_in_dim3A_767 : vector<16xi32>
      %broadcast_in_dim3A_769 = arith.constant 4096 : i32
      %broadcast_in_dim3A_770 = vector.broadcast %broadcast_in_dim3A_769 : i32 to vector<16xi32>
      %add3A_771 = arith.addi %add3A_768, %broadcast_in_dim3A_770 : vector<16xi32>
      %select_n3A_772 = arith.select %gt3A_765, %add3A_768, %add3A_771 : vector<16xi1>, vector<16xi32>
      %masked_sort3A_773 = arith.constant dense<true> : vector<16xi1>
      %masked_sort3A_774 = arith.constant -2147483648 : i32
      %masked_sort3A_775 = vector.broadcast %masked_sort3A_774 : i32 to vector<16xi32>
      %masked_sort3A_776 = arith.xori %select_n3A_772, %masked_sort3A_775 : vector<16xi32>
      %masked_sort3A_777, %masked_sort3A_778, %masked_sort3A_779 = tpu.sort %masked_sort3A_776, %add3A_768 masked %masked_sort3A_773 : (vector<16xi32>, vector<16xi32>, vector<16xi1>) -> (vector<16xi1>, vector<16xi32>, vector<16xi32>)
      %masked_sort3A_780 = arith.xori %masked_sort3A_778, %masked_sort3A_775 : vector<16xi32>
      %add3A_781 = arith.addi %add3A_761, %iota3A : vector<16xi32>
      tpu.vector_store_idx %arg7[%add3A_781], %masked_sort3A_779 : memref<224xi32, #tpu.memory_space<vmem>>[vector<16xi32>], vector<16xi32>,
      %all_reduce_population_count3A_782 = tpu.all_reduce %gt3A_765 {dim = 0 : i64, kind = #tpu.reduction_kind<sum>} : vector<16xi1> -> vector<16xi32>
      %add3A_783 = arith.addi %add3A_761, %all_reduce_population_count3A_782 : vector<16xi32>
      %get3A_784 = arith.index_cast %scan3A_626 : i32 to index
      %get3A_785 = arith.constant 112 : index
      %get3A_786 = tpu.vector_load %arg5[%get3A_784, %get3A_785] {strides = array<i32>} : memref<32x200xi32, #tpu.memory_space<vmem>>, vector<16xi32>,
      %gt3A_787 = arith.cmpi sgt, %get3A_786, %broadcast_in_dim3A_3 : vector<16xi32>
      %broadcast_in_dim3A_788 = arith.constant 112 : i32
      %broadcast_in_dim3A_789 = vector.broadcast %broadcast_in_dim3A_788 : i32 to vector<16xi32>
      %add3A_790 = arith.addi %iota3A, %broadcast_in_dim3A_789 : vector<16xi32>
      %broadcast_in_dim3A_791 = arith.constant 4096 : i32
      %broadcast_in_dim3A_792 = vector.broadcast %broadcast_in_dim3A_791 : i32 to vector<16xi32>
      %add3A_793 = arith.addi %add3A_790, %broadcast_in_dim3A_792 : vector<16xi32>
      %select_n3A_794 = arith.select %gt3A_787, %add3A_790, %add3A_793 : vector<16xi1>, vector<16xi32>
      %masked_sort3A_795 = arith.constant dense<true> : vector<16xi1>
      %masked_sort3A_796 = arith.constant -2147483648 : i32
      %masked_sort3A_797 = vector.broadcast %masked_sort3A_796 : i32 to vector<16xi32>
      %masked_sort3A_798 = arith.xori %select_n3A_794, %masked_sort3A_797 : vector<16xi32>
      %masked_sort3A_799, %masked_sort3A_800, %masked_sort3A_801 = tpu.sort %masked_sort3A_798, %add3A_790 masked %masked_sort3A_795 : (vector<16xi32>, vector<16xi32>, vector<16xi1>) -> (vector<16xi1>, vector<16xi32>, vector<16xi32>)
      %masked_sort3A_802 = arith.xori %masked_sort3A_800, %masked_sort3A_797 : vector<16xi32>
      %add3A_803 = arith.addi %add3A_783, %iota3A : vector<16xi32>
      tpu.vector_store_idx %arg7[%add3A_803], %masked_sort3A_801 : memref<224xi32, #tpu.memory_space<vmem>>[vector<16xi32>], vector<16xi32>,
      %all_reduce_population_count3A_804 = tpu.all_reduce %gt3A_787 {dim = 0 : i64, kind = #tpu.reduction_kind<sum>} : vector<16xi1> -> vector<16xi32>
      %add3A_805 = arith.addi %add3A_783, %all_reduce_population_count3A_804 : vector<16xi32>
      %get3A_806 = arith.index_cast %scan3A_626 : i32 to index
      %get3A_807 = arith.constant 128 : index
      %get3A_808 = tpu.vector_load %arg5[%get3A_806, %get3A_807] {strides = array<i32>} : memref<32x200xi32, #tpu.memory_space<vmem>>, vector<16xi32>,
      %gt3A_809 = arith.cmpi sgt, %get3A_808, %broadcast_in_dim3A_3 : vector<16xi32>
      %broadcast_in_dim3A_810 = arith.constant 128 : i32
      %broadcast_in_dim3A_811 = vector.broadcast %broadcast_in_dim3A_810 : i32 to vector<16xi32>
      %add3A_812 = arith.addi %iota3A, %broadcast_in_dim3A_811 : vector<16xi32>
      %broadcast_in_dim3A_813 = arith.constant 4096 : i32
      %broadcast_in_dim3A_814 = vector.broadcast %broadcast_in_dim3A_813 : i32 to vector<16xi32>
      %add3A_815 = arith.addi %add3A_812, %broadcast_in_dim3A_814 : vector<16xi32>
      %select_n3A_816 = arith.select %gt3A_809, %add3A_812, %add3A_815 : vector<16xi1>, vector<16xi32>
      %masked_sort3A_817 = arith.constant dense<true> : vector<16xi1>
      %masked_sort3A_818 = arith.constant -2147483648 : i32
      %masked_sort3A_819 = vector.broadcast %masked_sort3A_818 : i32 to vector<16xi32>
      %masked_sort3A_820 = arith.xori %select_n3A_816, %masked_sort3A_819 : vector<16xi32>
      %masked_sort3A_821, %masked_sort3A_822, %masked_sort3A_823 = tpu.sort %masked_sort3A_820, %add3A_812 masked %masked_sort3A_817 : (vector<16xi32>, vector<16xi32>, vector<16xi1>) -> (vector<16xi1>, vector<16xi32>, vector<16xi32>)
      %masked_sort3A_824 = arith.xori %masked_sort3A_822, %masked_sort3A_819 : vector<16xi32>
      %add3A_825 = arith.addi %add3A_805, %iota3A : vector<16xi32>
      tpu.vector_store_idx %arg7[%add3A_825], %masked_sort3A_823 : memref<224xi32, #tpu.memory_space<vmem>>[vector<16xi32>], vector<16xi32>,
      %all_reduce_population_count3A_826 = tpu.all_reduce %gt3A_809 {dim = 0 : i64, kind = #tpu.reduction_kind<sum>} : vector<16xi1> -> vector<16xi32>
      %add3A_827 = arith.addi %add3A_805, %all_reduce_population_count3A_826 : vector<16xi32>
      %get3A_828 = arith.index_cast %scan3A_626 : i32 to index
      %get3A_829 = arith.constant 144 : index
      %get3A_830 = tpu.vector_load %arg5[%get3A_828, %get3A_829] {strides = array<i32>} : memref<32x200xi32, #tpu.memory_space<vmem>>, vector<16xi32>,
      %gt3A_831 = arith.cmpi sgt, %get3A_830, %broadcast_in_dim3A_3 : vector<16xi32>
      %broadcast_in_dim3A_832 = arith.constant 144 : i32
      %broadcast_in_dim3A_833 = vector.broadcast %broadcast_in_dim3A_832 : i32 to vector<16xi32>
      %add3A_834 = arith.addi %iota3A, %broadcast_in_dim3A_833 : vector<16xi32>
      %broadcast_in_dim3A_835 = arith.constant 4096 : i32
      %broadcast_in_dim3A_836 = vector.broadcast %broadcast_in_dim3A_835 : i32 to vector<16xi32>
      %add3A_837 = arith.addi %add3A_834, %broadcast_in_dim3A_836 : vector<16xi32>
      %select_n3A_838 = arith.select %gt3A_831, %add3A_834, %add3A_837 : vector<16xi1>, vector<16xi32>
      %masked_sort3A_839 = arith.constant dense<true> : vector<16xi1>
      %masked_sort3A_840 = arith.constant -2147483648 : i32
      %masked_sort3A_841 = vector.broadcast %masked_sort3A_840 : i32 to vector<16xi32>
      %masked_sort3A_842 = arith.xori %select_n3A_838, %masked_sort3A_841 : vector<16xi32>
      %masked_sort3A_843, %masked_sort3A_844, %masked_sort3A_845 = tpu.sort %masked_sort3A_842, %add3A_834 masked %masked_sort3A_839 : (vector<16xi32>, vector<16xi32>, vector<16xi1>) -> (vector<16xi1>, vector<16xi32>, vector<16xi32>)
      %masked_sort3A_846 = arith.xori %masked_sort3A_844, %masked_sort3A_841 : vector<16xi32>
      %add3A_847 = arith.addi %add3A_827, %iota3A : vector<16xi32>
      tpu.vector_store_idx %arg7[%add3A_847], %masked_sort3A_845 : memref<224xi32, #tpu.memory_space<vmem>>[vector<16xi32>], vector<16xi32>,
      %all_reduce_population_count3A_848 = tpu.all_reduce %gt3A_831 {dim = 0 : i64, kind = #tpu.reduction_kind<sum>} : vector<16xi1> -> vector<16xi32>
      %add3A_849 = arith.addi %add3A_827, %all_reduce_population_count3A_848 : vector<16xi32>
      %get3A_850 = arith.index_cast %scan3A_626 : i32 to index
      %get3A_851 = arith.constant 160 : index
      %get3A_852 = tpu.vector_load %arg5[%get3A_850, %get3A_851] {strides = array<i32>} : memref<32x200xi32, #tpu.memory_space<vmem>>, vector<16xi32>,
      %gt3A_853 = arith.cmpi sgt, %get3A_852, %broadcast_in_dim3A_3 : vector<16xi32>
      %broadcast_in_dim3A_854 = arith.constant 160 : i32
      %broadcast_in_dim3A_855 = vector.broadcast %broadcast_in_dim3A_854 : i32 to vector<16xi32>
      %add3A_856 = arith.addi %iota3A, %broadcast_in_dim3A_855 : vector<16xi32>
      %broadcast_in_dim3A_857 = arith.constant 4096 : i32
      %broadcast_in_dim3A_858 = vector.broadcast %broadcast_in_dim3A_857 : i32 to vector<16xi32>
      %add3A_859 = arith.addi %add3A_856, %broadcast_in_dim3A_858 : vector<16xi32>
      %select_n3A_860 = arith.select %gt3A_853, %add3A_856, %add3A_859 : vector<16xi1>, vector<16xi32>
      %masked_sort3A_861 = arith.constant dense<true> : vector<16xi1>
      %masked_sort3A_862 = arith.constant -2147483648 : i32
      %masked_sort3A_863 = vector.broadcast %masked_sort3A_862 : i32 to vector<16xi32>
      %masked_sort3A_864 = arith.xori %select_n3A_860, %masked_sort3A_863 : vector<16xi32>
      %masked_sort3A_865, %masked_sort3A_866, %masked_sort3A_867 = tpu.sort %masked_sort3A_864, %add3A_856 masked %masked_sort3A_861 : (vector<16xi32>, vector<16xi32>, vector<16xi1>) -> (vector<16xi1>, vector<16xi32>, vector<16xi32>)
      %masked_sort3A_868 = arith.xori %masked_sort3A_866, %masked_sort3A_863 : vector<16xi32>
      %add3A_869 = arith.addi %add3A_849, %iota3A : vector<16xi32>
      tpu.vector_store_idx %arg7[%add3A_869], %masked_sort3A_867 : memref<224xi32, #tpu.memory_space<vmem>>[vector<16xi32>], vector<16xi32>,
      %all_reduce_population_count3A_870 = tpu.all_reduce %gt3A_853 {dim = 0 : i64, kind = #tpu.reduction_kind<sum>} : vector<16xi1> -> vector<16xi32>
      %add3A_871 = arith.addi %add3A_849, %all_reduce_population_count3A_870 : vector<16xi32>
      %get3A_872 = arith.index_cast %scan3A_626 : i32 to index
      %get3A_873 = arith.constant 176 : index
      %get3A_874 = tpu.vector_load %arg5[%get3A_872, %get3A_873] {strides = array<i32>} : memref<32x200xi32, #tpu.memory_space<vmem>>, vector<16xi32>,
      %gt3A_875 = arith.cmpi sgt, %get3A_874, %broadcast_in_dim3A_3 : vector<16xi32>
      %broadcast_in_dim3A_876 = arith.constant 176 : i32
      %broadcast_in_dim3A_877 = vector.broadcast %broadcast_in_dim3A_876 : i32 to vector<16xi32>
      %add3A_878 = arith.addi %iota3A, %broadcast_in_dim3A_877 : vector<16xi32>
      %broadcast_in_dim3A_879 = arith.constant 4096 : i32
      %broadcast_in_dim3A_880 = vector.broadcast %broadcast_in_dim3A_879 : i32 to vector<16xi32>
      %add3A_881 = arith.addi %add3A_878, %broadcast_in_dim3A_880 : vector<16xi32>
      %select_n3A_882 = arith.select %gt3A_875, %add3A_878, %add3A_881 : vector<16xi1>, vector<16xi32>
      %masked_sort3A_883 = arith.constant dense<true> : vector<16xi1>
      %masked_sort3A_884 = arith.constant -2147483648 : i32
      %masked_sort3A_885 = vector.broadcast %masked_sort3A_884 : i32 to vector<16xi32>
      %masked_sort3A_886 = arith.xori %select_n3A_882, %masked_sort3A_885 : vector<16xi32>
      %masked_sort3A_887, %masked_sort3A_888, %masked_sort3A_889 = tpu.sort %masked_sort3A_886, %add3A_878 masked %masked_sort3A_883 : (vector<16xi32>, vector<16xi32>, vector<16xi1>) -> (vector<16xi1>, vector<16xi32>, vector<16xi32>)
      %masked_sort3A_890 = arith.xori %masked_sort3A_888, %masked_sort3A_885 : vector<16xi32>
      %add3A_891 = arith.addi %add3A_871, %iota3A : vector<16xi32>
      tpu.vector_store_idx %arg7[%add3A_891], %masked_sort3A_889 : memref<224xi32, #tpu.memory_space<vmem>>[vector<16xi32>], vector<16xi32>,
      %all_reduce_population_count3A_892 = tpu.all_reduce %gt3A_875 {dim = 0 : i64, kind = #tpu.reduction_kind<sum>} : vector<16xi1> -> vector<16xi32>
      %add3A_893 = arith.addi %add3A_871, %all_reduce_population_count3A_892 : vector<16xi32>
      %get3A_894 = arith.index_cast %scan3A_626 : i32 to index
      %get3A_895 = arith.constant 184 : index
      %get3A_896 = tpu.vector_load %arg5[%get3A_894, %get3A_895] {strides = array<i32>} : memref<32x200xi32, #tpu.memory_space<vmem>>, vector<16xi32>,
      %gt3A_897 = arith.cmpi sgt, %get3A_896, %broadcast_in_dim3A_3 : vector<16xi32>
      %broadcast_in_dim3A_898 = arith.constant 8 : i32
      %broadcast_in_dim3A_899 = vector.broadcast %broadcast_in_dim3A_898 : i32 to vector<16xi32>
      %ge3A_900 = arith.cmpi sge, %iota3A, %broadcast_in_dim3A_899 : vector<16xi32>
      %and3A_901 = arith.andi %gt3A_897, %ge3A_900 : vector<16xi1>
      %broadcast_in_dim3A_902 = arith.constant 184 : i32
      %broadcast_in_dim3A_903 = vector.broadcast %broadcast_in_dim3A_902 : i32 to vector<16xi32>
      %add3A_904 = arith.addi %iota3A, %broadcast_in_dim3A_903 : vector<16xi32>
      %broadcast_in_dim3A_905 = arith.constant 4096 : i32
      %broadcast_in_dim3A_906 = vector.broadcast %broadcast_in_dim3A_905 : i32 to vector<16xi32>
      %add3A_907 = arith.addi %add3A_904, %broadcast_in_dim3A_906 : vector<16xi32>
      %select_n3A_908 = arith.select %and3A_901, %add3A_904, %add3A_907 : vector<16xi1>, vector<16xi32>
      %masked_sort3A_909 = arith.constant dense<true> : vector<16xi1>
      %masked_sort3A_910 = arith.constant -2147483648 : i32
      %masked_sort3A_911 = vector.broadcast %masked_sort3A_910 : i32 to vector<16xi32>
      %masked_sort3A_912 = arith.xori %select_n3A_908, %masked_sort3A_911 : vector<16xi32>
      %masked_sort3A_913, %masked_sort3A_914, %masked_sort3A_915 = tpu.sort %masked_sort3A_912, %add3A_904 masked %masked_sort3A_909 : (vector<16xi32>, vector<16xi32>, vector<16xi1>) -> (vector<16xi1>, vector<16xi32>, vector<16xi32>)
      %masked_sort3A_916 = arith.xori %masked_sort3A_914, %masked_sort3A_911 : vector<16xi32>
      %add3A_917 = arith.addi %add3A_893, %iota3A : vector<16xi32>
      tpu.vector_store_idx %arg7[%add3A_917], %masked_sort3A_915 : memref<224xi32, #tpu.memory_space<vmem>>[vector<16xi32>], vector<16xi32>,
      %all_reduce_population_count3A_918 = tpu.all_reduce %and3A_901 {dim = 0 : i64, kind = #tpu.reduction_kind<sum>} : vector<16xi1> -> vector<16xi32>
      %add3A_919 = arith.addi %add3A_893, %all_reduce_population_count3A_918 : vector<16xi32>
      %max3A_920 = arith.maxsi %add3A_919, %broadcast_in_dim3A_5 : vector<16xi32>
      %add3A_921 = arith.addi %mul3A_2, %scan3A_626 : i32
      %mul3A_922 = arith.constant 200 : i32
      %mul3A_923 = arith.muli %add3A_921, %mul3A_922 : i32
      %broadcast_in_dim3A_924 = vector.broadcast %mul3A_923 : i32 to vector<16xi32>
      %broadcast_in_dim3A_925 = arith.constant 1.000000e+00 : f32
      %broadcast_in_dim3A_926 = vector.broadcast %broadcast_in_dim3A_925 : f32 to vector<16xf32>
      %convert_element_type3A_927 = arith.sitofp %max3A_920 : vector<16xi32> to vector<16xf32>
      %div3A_928 = arith.divf %broadcast_in_dim3A_926, %convert_element_type3A_927 : vector<16xf32>
      %broadcast_in_dim3A_929 = arith.constant 2.44140625E-4 : f32
      %broadcast_in_dim3A_930 = vector.broadcast %broadcast_in_dim3A_929 : f32 to vector<16xf32>
      %convert_element_type3A_931 = arith.sitofp %iota3A : vector<16xi32> to vector<16xf32>
      %broadcast_in_dim3A_932 = arith.constant 0.000000e+00 : f32
      %broadcast_in_dim3A_933 = vector.broadcast %broadcast_in_dim3A_932 : f32 to vector<16xf32>
      %add3A_934 = arith.addf %convert_element_type3A_931, %broadcast_in_dim3A_933 : vector<16xf32>
      %mul3A_935 = arith.mulf %add3A_934, %div3A_928 : vector<16xf32>
      %add3A_936 = arith.addf %mul3A_935, %broadcast_in_dim3A_930 : vector<16xf32>
      %convert_element_type3A_937 = arith.fptosi %add3A_936 : vector<16xf32> to vector<16xi32>
      %broadcast_in_dim3A_938 = arith.constant 0 : i32
      %broadcast_in_dim3A_939 = vector.broadcast %broadcast_in_dim3A_938 : i32 to vector<16xi32>
      %add3A_940 = arith.addi %iota3A, %broadcast_in_dim3A_939 : vector<16xi32>
      %mul3A_941 = arith.muli %max3A_920, %convert_element_type3A_937 : vector<16xi32>
      %sub3A_942 = arith.subi %add3A_940, %mul3A_941 : vector<16xi32>
      %gather3A_943 = tpu.vector_load_idx %arg7[%sub3A_942] : memref<224xi32, #tpu.memory_space<vmem>>[vector<16xi32>], vector<16xi32>,
      %add3A_944 = arith.addi %gather3A_943, %broadcast_in_dim3A_924 : vector<16xi32>
      %mul3A_945 = arith.constant 208 : i32
      %mul3A_946 = arith.muli %scan3A_626, %mul3A_945 : i32
      %add3A_947 = arith.constant 0 : i32
      %add3A_948 = arith.addi %mul3A_946, %add3A_947 : i32
      %swap3A_949 = arith.index_cast %add3A_948 : i32 to index
      %swap3A_950 = tpu.vector_load %arg6[%swap3A_949] {strides = array<i32>} : memref<6656xi32, #tpu.memory_space<vmem>>, vector<16xi32>,
      tpu.vector_store %arg6[%swap3A_949], %add3A_944 {strides = array<i32>} : memref<6656xi32, #tpu.memory_space<vmem>>, vector<16xi32>,
      %broadcast_in_dim3A_951 = arith.constant 1.600000e+01 : f32
      %broadcast_in_dim3A_952 = vector.broadcast %broadcast_in_dim3A_951 : f32 to vector<16xf32>
      %add3A_953 = arith.addf %convert_element_type3A_931, %broadcast_in_dim3A_952 : vector<16xf32>
      %mul3A_954 = arith.mulf %add3A_953, %div3A_928 : vector<16xf32>
      %add3A_955 = arith.addf %mul3A_954, %broadcast_in_dim3A_930 : vector<16xf32>
      %convert_element_type3A_956 = arith.fptosi %add3A_955 : vector<16xf32> to vector<16xi32>
      %broadcast_in_dim3A_957 = arith.constant 16 : i32
      %broadcast_in_dim3A_958 = vector.broadcast %broadcast_in_dim3A_957 : i32 to vector<16xi32>
      %add3A_959 = arith.addi %iota3A, %broadcast_in_dim3A_958 : vector<16xi32>
      %mul3A_960 = arith.muli %max3A_920, %convert_element_type3A_956 : vector<16xi32>
      %sub3A_961 = arith.subi %add3A_959, %mul3A_960 : vector<16xi32>
      %gather3A_962 = tpu.vector_load_idx %arg7[%sub3A_961] : memref<224xi32, #tpu.memory_space<vmem>>[vector<16xi32>], vector<16xi32>,
      %add3A_963 = arith.addi %gather3A_962, %broadcast_in_dim3A_924 : vector<16xi32>
      %mul3A_964 = arith.constant 208 : i32
      %mul3A_965 = arith.muli %scan3A_626, %mul3A_964 : i32
      %add3A_966 = arith.constant 16 : i32
      %add3A_967 = arith.addi %mul3A_965, %add3A_966 : i32
      %swap3A_968 = arith.index_cast %add3A_967 : i32 to index
      %swap3A_969 = tpu.vector_load %arg6[%swap3A_968] {strides = array<i32>} : memref<6656xi32, #tpu.memory_space<vmem>>, vector<16xi32>,
      tpu.vector_store %arg6[%swap3A_968], %add3A_963 {strides = array<i32>} : memref<6656xi32, #tpu.memory_space<vmem>>, vector<16xi32>,
      %broadcast_in_dim3A_970 = arith.constant 3.200000e+01 : f32
      %broadcast_in_dim3A_971 = vector.broadcast %broadcast_in_dim3A_970 : f32 to vector<16xf32>
      %add3A_972 = arith.addf %convert_element_type3A_931, %broadcast_in_dim3A_971 : vector<16xf32>
      %mul3A_973 = arith.mulf %add3A_972, %div3A_928 : vector<16xf32>
      %add3A_974 = arith.addf %mul3A_973, %broadcast_in_dim3A_930 : vector<16xf32>
      %convert_element_type3A_975 = arith.fptosi %add3A_974 : vector<16xf32> to vector<16xi32>
      %broadcast_in_dim3A_976 = arith.constant 32 : i32
      %broadcast_in_dim3A_977 = vector.broadcast %broadcast_in_dim3A_976 : i32 to vector<16xi32>
      %add3A_978 = arith.addi %iota3A, %broadcast_in_dim3A_977 : vector<16xi32>
      %mul3A_979 = arith.muli %max3A_920, %convert_element_type3A_975 : vector<16xi32>
      %sub3A_980 = arith.subi %add3A_978, %mul3A_979 : vector<16xi32>
      %gather3A_981 = tpu.vector_load_idx %arg7[%sub3A_980] : memref<224xi32, #tpu.memory_space<vmem>>[vector<16xi32>], vector<16xi32>,
      %add3A_982 = arith.addi %gather3A_981, %broadcast_in_dim3A_924 : vector<16xi32>
      %mul3A_983 = arith.constant 208 : i32
      %mul3A_984 = arith.muli %scan3A_626, %mul3A_983 : i32
      %add3A_985 = arith.constant 32 : i32
      %add3A_986 = arith.addi %mul3A_984, %add3A_985 : i32
      %swap3A_987 = arith.index_cast %add3A_986 : i32 to index
      %swap3A_988 = tpu.vector_load %arg6[%swap3A_987] {strides = array<i32>} : memref<6656xi32, #tpu.memory_space<vmem>>, vector<16xi32>,
      tpu.vector_store %arg6[%swap3A_987], %add3A_982 {strides = array<i32>} : memref<6656xi32, #tpu.memory_space<vmem>>, vector<16xi32>,
      %broadcast_in_dim3A_989 = arith.constant 4.800000e+01 : f32
      %broadcast_in_dim3A_990 = vector.broadcast %broadcast_in_dim3A_989 : f32 to vector<16xf32>
      %add3A_991 = arith.addf %convert_element_type3A_931, %broadcast_in_dim3A_990 : vector<16xf32>
      %mul3A_992 = arith.mulf %add3A_991, %div3A_928 : vector<16xf32>
      %add3A_993 = arith.addf %mul3A_992, %broadcast_in_dim3A_930 : vector<16xf32>
      %convert_element_type3A_994 = arith.fptosi %add3A_993 : vector<16xf32> to vector<16xi32>
      %broadcast_in_dim3A_995 = arith.constant 48 : i32
      %broadcast_in_dim3A_996 = vector.broadcast %broadcast_in_dim3A_995 : i32 to vector<16xi32>
      %add3A_997 = arith.addi %iota3A, %broadcast_in_dim3A_996 : vector<16xi32>
      %mul3A_998 = arith.muli %max3A_920, %convert_element_type3A_994 : vector<16xi32>
      %sub3A_999 = arith.subi %add3A_997, %mul3A_998 : vector<16xi32>
      %gather3A_1000 = tpu.vector_load_idx %arg7[%sub3A_999] : memref<224xi32, #tpu.memory_space<vmem>>[vector<16xi32>], vector<16xi32>,
      %add3A_1001 = arith.addi %gather3A_1000, %broadcast_in_dim3A_924 : vector<16xi32>
      %mul3A_1002 = arith.constant 208 : i32
      %mul3A_1003 = arith.muli %scan3A_626, %mul3A_1002 : i32
      %add3A_1004 = arith.constant 48 : i32
      %add3A_1005 = arith.addi %mul3A_1003, %add3A_1004 : i32
      %swap3A_1006 = arith.index_cast %add3A_1005 : i32 to index
      %swap3A_1007 = tpu.vector_load %arg6[%swap3A_1006] {strides = array<i32>} : memref<6656xi32, #tpu.memory_space<vmem>>, vector<16xi32>,
      tpu.vector_store %arg6[%swap3A_1006], %add3A_1001 {strides = array<i32>} : memref<6656xi32, #tpu.memory_space<vmem>>, vector<16xi32>,
      %broadcast_in_dim3A_1008 = arith.constant 6.400000e+01 : f32
      %broadcast_in_dim3A_1009 = vector.broadcast %broadcast_in_dim3A_1008 : f32 to vector<16xf32>
      %add3A_1010 = arith.addf %convert_element_type3A_931, %broadcast_in_dim3A_1009 : vector<16xf32>
      %mul3A_1011 = arith.mulf %add3A_1010, %div3A_928 : vector<16xf32>
      %add3A_1012 = arith.addf %mul3A_1011, %broadcast_in_dim3A_930 : vector<16xf32>
      %convert_element_type3A_1013 = arith.fptosi %add3A_1012 : vector<16xf32> to vector<16xi32>
      %broadcast_in_dim3A_1014 = arith.constant 64 : i32
      %broadcast_in_dim3A_1015 = vector.broadcast %broadcast_in_dim3A_1014 : i32 to vector<16xi32>
      %add3A_1016 = arith.addi %iota3A, %broadcast_in_dim3A_1015 : vector<16xi32>
      %mul3A_1017 = arith.muli %max3A_920, %convert_element_type3A_1013 : vector<16xi32>
      %sub3A_1018 = arith.subi %add3A_1016, %mul3A_1017 : vector<16xi32>
      %gather3A_1019 = tpu.vector_load_idx %arg7[%sub3A_1018] : memref<224xi32, #tpu.memory_space<vmem>>[vector<16xi32>], vector<16xi32>,
      %add3A_1020 = arith.addi %gather3A_1019, %broadcast_in_dim3A_924 : vector<16xi32>
      %mul3A_1021 = arith.constant 208 : i32
      %mul3A_1022 = arith.muli %scan3A_626, %mul3A_1021 : i32
      %add3A_1023 = arith.constant 64 : i32
      %add3A_1024 = arith.addi %mul3A_1022, %add3A_1023 : i32
      %swap3A_1025 = arith.index_cast %add3A_1024 : i32 to index
      %swap3A_1026 = tpu.vector_load %arg6[%swap3A_1025] {strides = array<i32>} : memref<6656xi32, #tpu.memory_space<vmem>>, vector<16xi32>,
      tpu.vector_store %arg6[%swap3A_1025], %add3A_1020 {strides = array<i32>} : memref<6656xi32, #tpu.memory_space<vmem>>, vector<16xi32>,
      %broadcast_in_dim3A_1027 = arith.constant 8.000000e+01 : f32
      %broadcast_in_dim3A_1028 = vector.broadcast %broadcast_in_dim3A_1027 : f32 to vector<16xf32>
      %add3A_1029 = arith.addf %convert_element_type3A_931, %broadcast_in_dim3A_1028 : vector<16xf32>
      %mul3A_1030 = arith.mulf %add3A_1029, %div3A_928 : vector<16xf32>
      %add3A_1031 = arith.addf %mul3A_1030, %broadcast_in_dim3A_930 : vector<16xf32>
      %convert_element_type3A_1032 = arith.fptosi %add3A_1031 : vector<16xf32> to vector<16xi32>
      %broadcast_in_dim3A_1033 = arith.constant 80 : i32
      %broadcast_in_dim3A_1034 = vector.broadcast %broadcast_in_dim3A_1033 : i32 to vector<16xi32>
      %add3A_1035 = arith.addi %iota3A, %broadcast_in_dim3A_1034 : vector<16xi32>
      %mul3A_1036 = arith.muli %max3A_920, %convert_element_type3A_1032 : vector<16xi32>
      %sub3A_1037 = arith.subi %add3A_1035, %mul3A_1036 : vector<16xi32>
      %gather3A_1038 = tpu.vector_load_idx %arg7[%sub3A_1037] : memref<224xi32, #tpu.memory_space<vmem>>[vector<16xi32>], vector<16xi32>,
      %add3A_1039 = arith.addi %gather3A_1038, %broadcast_in_dim3A_924 : vector<16xi32>
      %mul3A_1040 = arith.constant 208 : i32
      %mul3A_1041 = arith.muli %scan3A_626, %mul3A_1040 : i32
      %add3A_1042 = arith.constant 80 : i32
      %add3A_1043 = arith.addi %mul3A_1041, %add3A_1042 : i32
      %swap3A_1044 = arith.index_cast %add3A_1043 : i32 to index
      %swap3A_1045 = tpu.vector_load %arg6[%swap3A_1044] {strides = array<i32>} : memref<6656xi32, #tpu.memory_space<vmem>>, vector<16xi32>,
      tpu.vector_store %arg6[%swap3A_1044], %add3A_1039 {strides = array<i32>} : memref<6656xi32, #tpu.memory_space<vmem>>, vector<16xi32>,
      %broadcast_in_dim3A_1046 = arith.constant 9.600000e+01 : f32
      %broadcast_in_dim3A_1047 = vector.broadcast %broadcast_in_dim3A_1046 : f32 to vector<16xf32>
      %add3A_1048 = arith.addf %convert_element_type3A_931, %broadcast_in_dim3A_1047 : vector<16xf32>
      %mul3A_1049 = arith.mulf %add3A_1048, %div3A_928 : vector<16xf32>
      %add3A_1050 = arith.addf %mul3A_1049, %broadcast_in_dim3A_930 : vector<16xf32>
      %convert_element_type3A_1051 = arith.fptosi %add3A_1050 : vector<16xf32> to vector<16xi32>
      %broadcast_in_dim3A_1052 = arith.constant 96 : i32
      %broadcast_in_dim3A_1053 = vector.broadcast %broadcast_in_dim3A_1052 : i32 to vector<16xi32>
      %add3A_1054 = arith.addi %iota3A, %broadcast_in_dim3A_1053 : vector<16xi32>
      %mul3A_1055 = arith.muli %max3A_920, %convert_element_type3A_1051 : vector<16xi32>
      %sub3A_1056 = arith.subi %add3A_1054, %mul3A_1055 : vector<16xi32>
      %gather3A_1057 = tpu.vector_load_idx %arg7[%sub3A_1056] : memref<224xi32, #tpu.memory_space<vmem>>[vector<16xi32>], vector<16xi32>,
      %add3A_1058 = arith.addi %gather3A_1057, %broadcast_in_dim3A_924 : vector<16xi32>
      %mul3A_1059 = arith.constant 208 : i32
      %mul3A_1060 = arith.muli %scan3A_626, %mul3A_1059 : i32
      %add3A_1061 = arith.constant 96 : i32
      %add3A_1062 = arith.addi %mul3A_1060, %add3A_1061 : i32
      %swap3A_1063 = arith.index_cast %add3A_1062 : i32 to index
      %swap3A_1064 = tpu.vector_load %arg6[%swap3A_1063] {strides = array<i32>} : memref<6656xi32, #tpu.memory_space<vmem>>, vector<16xi32>,
      tpu.vector_store %arg6[%swap3A_1063], %add3A_1058 {strides = array<i32>} : memref<6656xi32, #tpu.memory_space<vmem>>, vector<16xi32>,
      %broadcast_in_dim3A_1065 = arith.constant 1.120000e+02 : f32
      %broadcast_in_dim3A_1066 = vector.broadcast %broadcast_in_dim3A_1065 : f32 to vector<16xf32>
      %add3A_1067 = arith.addf %convert_element_type3A_931, %broadcast_in_dim3A_1066 : vector<16xf32>
      %mul3A_1068 = arith.mulf %add3A_1067, %div3A_928 : vector<16xf32>
      %add3A_1069 = arith.addf %mul3A_1068, %broadcast_in_dim3A_930 : vector<16xf32>
      %convert_element_type3A_1070 = arith.fptosi %add3A_1069 : vector<16xf32> to vector<16xi32>
      %broadcast_in_dim3A_1071 = arith.constant 112 : i32
      %broadcast_in_dim3A_1072 = vector.broadcast %broadcast_in_dim3A_1071 : i32 to vector<16xi32>
      %add3A_1073 = arith.addi %iota3A, %broadcast_in_dim3A_1072 : vector<16xi32>
      %mul3A_1074 = arith.muli %max3A_920, %convert_element_type3A_1070 : vector<16xi32>
      %sub3A_1075 = arith.subi %add3A_1073, %mul3A_1074 : vector<16xi32>
      %gather3A_1076 = tpu.vector_load_idx %arg7[%sub3A_1075] : memref<224xi32, #tpu.memory_space<vmem>>[vector<16xi32>], vector<16xi32>,
      %add3A_1077 = arith.addi %gather3A_1076, %broadcast_in_dim3A_924 : vector<16xi32>
      %mul3A_1078 = arith.constant 208 : i32
      %mul3A_1079 = arith.muli %scan3A_626, %mul3A_1078 : i32
      %add3A_1080 = arith.constant 112 : i32
      %add3A_1081 = arith.addi %mul3A_1079, %add3A_1080 : i32
      %swap3A_1082 = arith.index_cast %add3A_1081 : i32 to index
      %swap3A_1083 = tpu.vector_load %arg6[%swap3A_1082] {strides = array<i32>} : memref<6656xi32, #tpu.memory_space<vmem>>, vector<16xi32>,
      tpu.vector_store %arg6[%swap3A_1082], %add3A_1077 {strides = array<i32>} : memref<6656xi32, #tpu.memory_space<vmem>>, vector<16xi32>,
      %broadcast_in_dim3A_1084 = arith.constant 1.280000e+02 : f32
      %broadcast_in_dim3A_1085 = vector.broadcast %broadcast_in_dim3A_1084 : f32 to vector<16xf32>
      %add3A_1086 = arith.addf %convert_element_type3A_931, %broadcast_in_dim3A_1085 : vector<16xf32>
      %mul3A_1087 = arith.mulf %add3A_1086, %div3A_928 : vector<16xf32>
      %add3A_1088 = arith.addf %mul3A_1087, %broadcast_in_dim3A_930 : vector<16xf32>
      %convert_element_type3A_1089 = arith.fptosi %add3A_1088 : vector<16xf32> to vector<16xi32>
      %broadcast_in_dim3A_1090 = arith.constant 128 : i32
      %broadcast_in_dim3A_1091 = vector.broadcast %broadcast_in_dim3A_1090 : i32 to vector<16xi32>
      %add3A_1092 = arith.addi %iota3A, %broadcast_in_dim3A_1091 : vector<16xi32>
      %mul3A_1093 = arith.muli %max3A_920, %convert_element_type3A_1089 : vector<16xi32>
      %sub3A_1094 = arith.subi %add3A_1092, %mul3A_1093 : vector<16xi32>
      %gather3A_1095 = tpu.vector_load_idx %arg7[%sub3A_1094] : memref<224xi32, #tpu.memory_space<vmem>>[vector<16xi32>], vector<16xi32>,
      %add3A_1096 = arith.addi %gather3A_1095, %broadcast_in_dim3A_924 : vector<16xi32>
      %mul3A_1097 = arith.constant 208 : i32
      %mul3A_1098 = arith.muli %scan3A_626, %mul3A_1097 : i32
      %add3A_1099 = arith.constant 128 : i32
      %add3A_1100 = arith.addi %mul3A_1098, %add3A_1099 : i32
      %swap3A_1101 = arith.index_cast %add3A_1100 : i32 to index
      %swap3A_1102 = tpu.vector_load %arg6[%swap3A_1101] {strides = array<i32>} : memref<6656xi32, #tpu.memory_space<vmem>>, vector<16xi32>,
      tpu.vector_store %arg6[%swap3A_1101], %add3A_1096 {strides = array<i32>} : memref<6656xi32, #tpu.memory_space<vmem>>, vector<16xi32>,
      %broadcast_in_dim3A_1103 = arith.constant 1.440000e+02 : f32
      %broadcast_in_dim3A_1104 = vector.broadcast %broadcast_in_dim3A_1103 : f32 to vector<16xf32>
      %add3A_1105 = arith.addf %convert_element_type3A_931, %broadcast_in_dim3A_1104 : vector<16xf32>
      %mul3A_1106 = arith.mulf %add3A_1105, %div3A_928 : vector<16xf32>
      %add3A_1107 = arith.addf %mul3A_1106, %broadcast_in_dim3A_930 : vector<16xf32>
      %convert_element_type3A_1108 = arith.fptosi %add3A_1107 : vector<16xf32> to vector<16xi32>
      %broadcast_in_dim3A_1109 = arith.constant 144 : i32
      %broadcast_in_dim3A_1110 = vector.broadcast %broadcast_in_dim3A_1109 : i32 to vector<16xi32>
      %add3A_1111 = arith.addi %iota3A, %broadcast_in_dim3A_1110 : vector<16xi32>
      %mul3A_1112 = arith.muli %max3A_920, %convert_element_type3A_1108 : vector<16xi32>
      %sub3A_1113 = arith.subi %add3A_1111, %mul3A_1112 : vector<16xi32>
      %gather3A_1114 = tpu.vector_load_idx %arg7[%sub3A_1113] : memref<224xi32, #tpu.memory_space<vmem>>[vector<16xi32>], vector<16xi32>,
      %add3A_1115 = arith.addi %gather3A_1114, %broadcast_in_dim3A_924 : vector<16xi32>
      %mul3A_1116 = arith.constant 208 : i32
      %mul3A_1117 = arith.muli %scan3A_626, %mul3A_1116 : i32
      %add3A_1118 = arith.constant 144 : i32
      %add3A_1119 = arith.addi %mul3A_1117, %add3A_1118 : i32
      %swap3A_1120 = arith.index_cast %add3A_1119 : i32 to index
      %swap3A_1121 = tpu.vector_load %arg6[%swap3A_1120] {strides = array<i32>} : memref<6656xi32, #tpu.memory_space<vmem>>, vector<16xi32>,
      tpu.vector_store %arg6[%swap3A_1120], %add3A_1115 {strides = array<i32>} : memref<6656xi32, #tpu.memory_space<vmem>>, vector<16xi32>,
      %broadcast_in_dim3A_1122 = arith.constant 1.600000e+02 : f32
      %broadcast_in_dim3A_1123 = vector.broadcast %broadcast_in_dim3A_1122 : f32 to vector<16xf32>
      %add3A_1124 = arith.addf %convert_element_type3A_931, %broadcast_in_dim3A_1123 : vector<16xf32>
      %mul3A_1125 = arith.mulf %add3A_1124, %div3A_928 : vector<16xf32>
      %add3A_1126 = arith.addf %mul3A_1125, %broadcast_in_dim3A_930 : vector<16xf32>
      %convert_element_type3A_1127 = arith.fptosi %add3A_1126 : vector<16xf32> to vector<16xi32>
      %broadcast_in_dim3A_1128 = arith.constant 160 : i32
      %broadcast_in_dim3A_1129 = vector.broadcast %broadcast_in_dim3A_1128 : i32 to vector<16xi32>
      %add3A_1130 = arith.addi %iota3A, %broadcast_in_dim3A_1129 : vector<16xi32>
      %mul3A_1131 = arith.muli %max3A_920, %convert_element_type3A_1127 : vector<16xi32>
      %sub3A_1132 = arith.subi %add3A_1130, %mul3A_1131 : vector<16xi32>
      %gather3A_1133 = tpu.vector_load_idx %arg7[%sub3A_1132] : memref<224xi32, #tpu.memory_space<vmem>>[vector<16xi32>], vector<16xi32>,
      %add3A_1134 = arith.addi %gather3A_1133, %broadcast_in_dim3A_924 : vector<16xi32>
      %mul3A_1135 = arith.constant 208 : i32
      %mul3A_1136 = arith.muli %scan3A_626, %mul3A_1135 : i32
      %add3A_1137 = arith.constant 160 : i32
      %add3A_1138 = arith.addi %mul3A_1136, %add3A_1137 : i32
      %swap3A_1139 = arith.index_cast %add3A_1138 : i32 to index
      %swap3A_1140 = tpu.vector_load %arg6[%swap3A_1139] {strides = array<i32>} : memref<6656xi32, #tpu.memory_space<vmem>>, vector<16xi32>,
      tpu.vector_store %arg6[%swap3A_1139], %add3A_1134 {strides = array<i32>} : memref<6656xi32, #tpu.memory_space<vmem>>, vector<16xi32>,
      %broadcast_in_dim3A_1141 = arith.constant 1.760000e+02 : f32
      %broadcast_in_dim3A_1142 = vector.broadcast %broadcast_in_dim3A_1141 : f32 to vector<16xf32>
      %add3A_1143 = arith.addf %convert_element_type3A_931, %broadcast_in_dim3A_1142 : vector<16xf32>
      %mul3A_1144 = arith.mulf %add3A_1143, %div3A_928 : vector<16xf32>
      %add3A_1145 = arith.addf %mul3A_1144, %broadcast_in_dim3A_930 : vector<16xf32>
      %convert_element_type3A_1146 = arith.fptosi %add3A_1145 : vector<16xf32> to vector<16xi32>
      %broadcast_in_dim3A_1147 = arith.constant 176 : i32
      %broadcast_in_dim3A_1148 = vector.broadcast %broadcast_in_dim3A_1147 : i32 to vector<16xi32>
      %add3A_1149 = arith.addi %iota3A, %broadcast_in_dim3A_1148 : vector<16xi32>
      %mul3A_1150 = arith.muli %max3A_920, %convert_element_type3A_1146 : vector<16xi32>
      %sub3A_1151 = arith.subi %add3A_1149, %mul3A_1150 : vector<16xi32>
      %gather3A_1152 = tpu.vector_load_idx %arg7[%sub3A_1151] : memref<224xi32, #tpu.memory_space<vmem>>[vector<16xi32>], vector<16xi32>,
      %add3A_1153 = arith.addi %gather3A_1152, %broadcast_in_dim3A_924 : vector<16xi32>
      %mul3A_1154 = arith.constant 208 : i32
      %mul3A_1155 = arith.muli %scan3A_626, %mul3A_1154 : i32
      %add3A_1156 = arith.constant 176 : i32
      %add3A_1157 = arith.addi %mul3A_1155, %add3A_1156 : i32
      %swap3A_1158 = arith.index_cast %add3A_1157 : i32 to index
      %swap3A_1159 = tpu.vector_load %arg6[%swap3A_1158] {strides = array<i32>} : memref<6656xi32, #tpu.memory_space<vmem>>, vector<16xi32>,
      tpu.vector_store %arg6[%swap3A_1158], %add3A_1153 {strides = array<i32>} : memref<6656xi32, #tpu.memory_space<vmem>>, vector<16xi32>,
      %broadcast_in_dim3A_1160 = arith.constant 1.920000e+02 : f32
      %broadcast_in_dim3A_1161 = vector.broadcast %broadcast_in_dim3A_1160 : f32 to vector<16xf32>
      %add3A_1162 = arith.addf %convert_element_type3A_931, %broadcast_in_dim3A_1161 : vector<16xf32>
      %mul3A_1163 = arith.mulf %add3A_1162, %div3A_928 : vector<16xf32>
      %add3A_1164 = arith.addf %mul3A_1163, %broadcast_in_dim3A_930 : vector<16xf32>
      %convert_element_type3A_1165 = arith.fptosi %add3A_1164 : vector<16xf32> to vector<16xi32>
      %broadcast_in_dim3A_1166 = arith.constant 192 : i32
      %broadcast_in_dim3A_1167 = vector.broadcast %broadcast_in_dim3A_1166 : i32 to vector<16xi32>
      %add3A_1168 = arith.addi %iota3A, %broadcast_in_dim3A_1167 : vector<16xi32>
      %mul3A_1169 = arith.muli %max3A_920, %convert_element_type3A_1165 : vector<16xi32>
      %sub3A_1170 = arith.subi %add3A_1168, %mul3A_1169 : vector<16xi32>
      %gather3A_1171 = tpu.vector_load_idx %arg7[%sub3A_1170] : memref<224xi32, #tpu.memory_space<vmem>>[vector<16xi32>], vector<16xi32>,
      %add3A_1172 = arith.addi %gather3A_1171, %broadcast_in_dim3A_924 : vector<16xi32>
      %mul3A_1173 = arith.constant 208 : i32
      %mul3A_1174 = arith.muli %scan3A_626, %mul3A_1173 : i32
      %add3A_1175 = arith.constant 192 : i32
      %add3A_1176 = arith.addi %mul3A_1174, %add3A_1175 : i32
      %swap3A_1177 = arith.index_cast %add3A_1176 : i32 to index
      %swap3A_1178 = tpu.vector_load %arg6[%swap3A_1177] {strides = array<i32>} : memref<6656xi32, #tpu.memory_space<vmem>>, vector<16xi32>,
      tpu.vector_store %arg6[%swap3A_1177], %add3A_1172 {strides = array<i32>} : memref<6656xi32, #tpu.memory_space<vmem>>, vector<16xi32>,
      %ge3A_1179 = arith.constant 4 : i32
      %ge3A_1180 = arith.cmpi sge, %scan3A_626, %ge3A_1179 : i32
      %convert_element_type3A_1181 = arith.extui %ge3A_1180 : i1 to i32
      %cond3A = arith.constant 0 : i32
      %cond3A_1182 = arith.cmpi ne, %convert_element_type3A_1181, %cond3A : i32
      scf.if %cond3A_1182 {
        %mul3A_1250 = arith.constant 200 : i32
        %mul3A_1251 = arith.muli %mul3A_2, %mul3A_1250 : i32
        %dma_wait3A_1252 = arith.constant 0 : i32
        %dma_wait3A_1253 = arith.constant 0 : i32
        %dma_wait3A_1254 = tpu.memref_slice %arg8[%rem3A_627, %dma_wait3A_1252, %dma_wait3A_1253] : memref<4x200x128xf32, #tpu.memory_space<vmem>> -> memref<1x200x128xf32, #tpu.memory_space<vmem>>
        %dma_wait3A_1255 = tpu.memref_squeeze %dma_wait3A_1254 : memref<1x200x128xf32, #tpu.memory_space<vmem>> -> memref<200x128xf32, #tpu.memory_space<vmem>>
        %dma_wait3A_1256 = arith.constant 0 : i32
        %dma_wait3A_1257 = tpu.memref_slice %arg4[%mul3A_1251, %dma_wait3A_1256] : memref<204800x128xf32, #tpu.memory_space<hbm>> -> memref<200x128xf32, #tpu.memory_space<hbm>>
        %dma_wait3A_1258 = arith.constant 0 : i32
        %dma_wait3A_1259 = tpu.memref_slice %arg4[%mul3A_1251, %dma_wait3A_1258] : memref<204800x128xf32, #tpu.memory_space<hbm>> -> memref<200x128xf32, #tpu.memory_space<hbm>>
        %dma_wait3A_1260 = arith.constant 0 : i32
        %dma_wait3A_1261 = arith.constant 0 : i32
        %dma_wait3A_1262 = tpu.memref_slice %arg8[%rem3A_627, %dma_wait3A_1260, %dma_wait3A_1261] : memref<4x200x128xf32, #tpu.memory_space<vmem>> -> memref<1x200x128xf32, #tpu.memory_space<vmem>>
        %dma_wait3A_1263 = tpu.memref_squeeze %dma_wait3A_1262 : memref<1x200x128xf32, #tpu.memory_space<vmem>> -> memref<200x128xf32, #tpu.memory_space<vmem>>
        tpu.wait_dma2 semaphore(%arg10 : memref<!tpu.dma_semaphore, #tpu.memory_space<semaphore_mem>>) src(%dma_wait3A_1263 : memref<200x128xf32, #tpu.memory_space<vmem>>) dst(%dma_wait3A_1259 : memref<200x128xf32, #tpu.memory_space<hbm>>)
      } else {
      }
      %mul3A_1183 = arith.constant 208 : i32
      %mul3A_1184 = arith.muli %scan3A_626, %mul3A_1183 : i32
      %dma_start3A_1185 = arith.constant 0 : i32
      %dma_start3A_1186 = arith.constant 0 : i32
      %dma_start3A_1187 = tpu.memref_slice %arg8[%rem3A_627, %dma_start3A_1185, %dma_start3A_1186] : memref<4x200x128xf32, #tpu.memory_space<vmem>> -> memref<1x128x128xf32, #tpu.memory_space<vmem>>
      %dma_start3A_1188 = tpu.memref_squeeze %dma_start3A_1187 : memref<1x128x128xf32, #tpu.memory_space<vmem>> -> memref<128x128xf32, #tpu.memory_space<vmem>>
      %dma_start3A_1189 = tpu.memref_slice %arg6[%mul3A_1184] : memref<6656xi32, #tpu.memory_space<vmem>> -> memref<128xi32, #tpu.memory_space<vmem>>
      %dma_start3A_1190 = arith.constant 0 : i32
      %dma_start3A_1191 = arith.constant 0 : i32
      %dma_start3A_1192 = tpu.memref_slice %arg3[%dma_start3A_1190, %dma_start3A_1191] : memref<204800x128xf32, #tpu.memory_space<hbm>> -> memref<204800x128xf32, #tpu.memory_space<hbm>>
      tpu.enqueue_indirect_dma source(%dma_start3A_1192 : memref<204800x128xf32, #tpu.memory_space<hbm>>) target(%dma_start3A_1188 : memref<128x128xf32, #tpu.memory_space<vmem>>) offsets(%dma_start3A_1189 : memref<128xi32, #tpu.memory_space<vmem>>) semaphore(%arg9 : memref<!tpu.dma_semaphore, #tpu.memory_space<semaphore_mem>>)
      %mul3A_1193 = arith.constant 208 : i32
      %mul3A_1194 = arith.muli %scan3A_626, %mul3A_1193 : i32
      %add3A_1195 = arith.constant 128 : i32
      %add3A_1196 = arith.addi %mul3A_1194, %add3A_1195 : i32
      %dma_start3A_1197 = arith.constant 128 : i32
      %dma_start3A_1198 = arith.constant 0 : i32
      %dma_start3A_1199 = tpu.memref_slice %arg8[%rem3A_627, %dma_start3A_1197, %dma_start3A_1198] : memref<4x200x128xf32, #tpu.memory_space<vmem>> -> memref<1x72x128xf32, #tpu.memory_space<vmem>>
      %dma_start3A_1200 = tpu.memref_squeeze %dma_start3A_1199 : memref<1x72x128xf32, #tpu.memory_space<vmem>> -> memref<72x128xf32, #tpu.memory_space<vmem>>
      %dma_start3A_1201 = tpu.memref_slice %arg6[%add3A_1196] : memref<6656xi32, #tpu.memory_space<vmem>> -> memref<72xi32, #tpu.memory_space<vmem>>
      %dma_start3A_1202 = arith.constant 0 : i32
      %dma_start3A_1203 = arith.constant 0 : i32
      %dma_start3A_1204 = tpu.memref_slice %arg3[%dma_start3A_1202, %dma_start3A_1203] : memref<204800x128xf32, #tpu.memory_space<hbm>> -> memref<204800x128xf32, #tpu.memory_space<hbm>>
      tpu.enqueue_indirect_dma source(%dma_start3A_1204 : memref<204800x128xf32, #tpu.memory_space<hbm>>) target(%dma_start3A_1200 : memref<72x128xf32, #tpu.memory_space<vmem>>) offsets(%dma_start3A_1201 : memref<72xi32, #tpu.memory_space<vmem>>) semaphore(%arg9 : memref<!tpu.dma_semaphore, #tpu.memory_space<semaphore_mem>>)
      %sub3A_1205 = arith.constant 1 : i32
      %sub3A_1206 = arith.subi %scan3A_626, %sub3A_1205 : i32
      %rem3A_1207 = arith.constant 4 : i32
      %rem3A_1208 = arith.remsi %sub3A_1206, %rem3A_1207 : i32
      %sub3A_1209 = arith.constant 1 : i32
      %sub3A_1210 = arith.subi %scan3A_626, %sub3A_1209 : i32
      %mul3A_1211 = arith.constant 208 : i32
      %mul3A_1212 = arith.muli %sub3A_1210, %mul3A_1211 : i32
      %dma_wait3A_1213 = arith.constant 0 : i32
      %dma_wait3A_1214 = arith.constant 0 : i32
      %dma_wait3A_1215 = tpu.memref_slice %arg8[%rem3A_1208, %dma_wait3A_1213, %dma_wait3A_1214] : memref<4x200x128xf32, #tpu.memory_space<vmem>> -> memref<1x128x128xf32, #tpu.memory_space<vmem>>
      %dma_wait3A_1216 = tpu.memref_squeeze %dma_wait3A_1215 : memref<1x128x128xf32, #tpu.memory_space<vmem>> -> memref<128x128xf32, #tpu.memory_space<vmem>>
      %dma_wait3A_1217 = tpu.memref_slice %arg6[%mul3A_1212] : memref<6656xi32, #tpu.memory_space<vmem>> -> memref<128xi32, #tpu.memory_space<vmem>>
      %dma_wait3A_1218 = arith.constant 0 : i32
      %dma_wait3A_1219 = arith.constant 0 : i32
      %dma_wait3A_1220 = tpu.memref_slice %arg3[%dma_wait3A_1218, %dma_wait3A_1219] : memref<204800x128xf32, #tpu.memory_space<hbm>> -> memref<204800x128xf32, #tpu.memory_space<hbm>>
      tpu.wait_indirect_dma semaphore(%arg9 : memref<!tpu.dma_semaphore, #tpu.memory_space<semaphore_mem>>) src(%dma_wait3A_1220 : memref<204800x128xf32, #tpu.memory_space<hbm>>) dst(%dma_wait3A_1216 : memref<128x128xf32, #tpu.memory_space<vmem>>)
      %mul3A_1221 = arith.constant 208 : i32
      %mul3A_1222 = arith.muli %sub3A_1210, %mul3A_1221 : i32
      %add3A_1223 = arith.constant 128 : i32
      %add3A_1224 = arith.addi %mul3A_1222, %add3A_1223 : i32
      %dma_wait3A_1225 = arith.constant 128 : i32
      %dma_wait3A_1226 = arith.constant 0 : i32
      %dma_wait3A_1227 = tpu.memref_slice %arg8[%rem3A_1208, %dma_wait3A_1225, %dma_wait3A_1226] : memref<4x200x128xf32, #tpu.memory_space<vmem>> -> memref<1x72x128xf32, #tpu.memory_space<vmem>>
      %dma_wait3A_1228 = tpu.memref_squeeze %dma_wait3A_1227 : memref<1x72x128xf32, #tpu.memory_space<vmem>> -> memref<72x128xf32, #tpu.memory_space<vmem>>
      %dma_wait3A_1229 = tpu.memref_slice %arg6[%add3A_1224] : memref<6656xi32, #tpu.memory_space<vmem>> -> memref<72xi32, #tpu.memory_space<vmem>>
      %dma_wait3A_1230 = arith.constant 0 : i32
      %dma_wait3A_1231 = arith.constant 0 : i32
      %dma_wait3A_1232 = tpu.memref_slice %arg3[%dma_wait3A_1230, %dma_wait3A_1231] : memref<204800x128xf32, #tpu.memory_space<hbm>> -> memref<204800x128xf32, #tpu.memory_space<hbm>>
      tpu.wait_indirect_dma semaphore(%arg9 : memref<!tpu.dma_semaphore, #tpu.memory_space<semaphore_mem>>) src(%dma_wait3A_1232 : memref<204800x128xf32, #tpu.memory_space<hbm>>) dst(%dma_wait3A_1228 : memref<72x128xf32, #tpu.memory_space<vmem>>)
      %sub3A_1233 = arith.constant 1 : i32
      %sub3A_1234 = arith.subi %scan3A_626, %sub3A_1233 : i32
      %add3A_1235 = arith.addi %mul3A_2, %sub3A_1234 : i32
      %mul3A_1236 = arith.constant 200 : i32
      %mul3A_1237 = arith.muli %add3A_1235, %mul3A_1236 : i32
      %dma_start3A_1238 = arith.constant 0 : i32
      %dma_start3A_1239 = arith.constant 0 : i32
      %dma_start3A_1240 = tpu.memref_slice %arg8[%rem3A_1208, %dma_start3A_1238, %dma_start3A_1239] : memref<4x200x128xf32, #tpu.memory_space<vmem>> -> memref<1x200x128xf32, #tpu.memory_space<vmem>>
      %dma_start3A_1241 = tpu.memref_squeeze %dma_start3A_1240 : memref<1x200x128xf32, #tpu.memory_space<vmem>> -> memref<200x128xf32, #tpu.memory_space<vmem>>
      %dma_start3A_1242 = arith.constant 0 : i32
      %dma_start3A_1243 = tpu.memref_slice %arg4[%mul3A_1237, %dma_start3A_1242] : memref<204800x128xf32, #tpu.memory_space<hbm>> -> memref<200x128xf32, #tpu.memory_space<hbm>>
      %dma_start3A_1244 = arith.constant 0 : i32
      %dma_start3A_1245 = tpu.memref_slice %arg4[%mul3A_1237, %dma_start3A_1244] : memref<204800x128xf32, #tpu.memory_space<hbm>> -> memref<200x128xf32, #tpu.memory_space<hbm>>
      %dma_start3A_1246 = arith.constant 0 : i32
      %dma_start3A_1247 = arith.constant 0 : i32
      %dma_start3A_1248 = tpu.memref_slice %arg8[%rem3A_1208, %dma_start3A_1246, %dma_start3A_1247] : memref<4x200x128xf32, #tpu.memory_space<vmem>> -> memref<1x200x128xf32, #tpu.memory_space<vmem>>
      %dma_start3A_1249 = tpu.memref_squeeze %dma_start3A_1248 : memref<1x200x128xf32, #tpu.memory_space<vmem>> -> memref<200x128xf32, #tpu.memory_space<vmem>>
      tpu.enqueue_dma source(%dma_start3A_1249 : memref<200x128xf32, #tpu.memory_space<vmem>>) target(%dma_start3A_1245 : memref<200x128xf32, #tpu.memory_space<hbm>>) target_semaphore(%arg10 : memref<!tpu.dma_semaphore, #tpu.memory_space<semaphore_mem>>)
    }
    %scan3A_529 = arith.constant 31 : i32
    %dma_wait3A = arith.constant 3 : i32
    %dma_wait3A_530 = arith.constant 0 : i32
    %dma_wait3A_531 = arith.constant 0 : i32
    %dma_wait3A_532 = tpu.memref_slice %arg8[%dma_wait3A, %dma_wait3A_530, %dma_wait3A_531] : memref<4x200x128xf32, #tpu.memory_space<vmem>> -> memref<1x128x128xf32, #tpu.memory_space<vmem>>
    %dma_wait3A_533 = tpu.memref_squeeze %dma_wait3A_532 : memref<1x128x128xf32, #tpu.memory_space<vmem>> -> memref<128x128xf32, #tpu.memory_space<vmem>>
    %dma_wait3A_534 = arith.constant 6448 : i32
    %dma_wait3A_535 = tpu.memref_slice %arg6[%dma_wait3A_534] : memref<6656xi32, #tpu.memory_space<vmem>> -> memref<128xi32, #tpu.memory_space<vmem>>
    %dma_wait3A_536 = arith.constant 0 : i32
    %dma_wait3A_537 = arith.constant 0 : i32
    %dma_wait3A_538 = tpu.memref_slice %arg3[%dma_wait3A_536, %dma_wait3A_537] : memref<204800x128xf32, #tpu.memory_space<hbm>> -> memref<204800x128xf32, #tpu.memory_space<hbm>>
    tpu.wait_indirect_dma semaphore(%arg9 : memref<!tpu.dma_semaphore, #tpu.memory_space<semaphore_mem>>) src(%dma_wait3A_538 : memref<204800x128xf32, #tpu.memory_space<hbm>>) dst(%dma_wait3A_533 : memref<128x128xf32, #tpu.memory_space<vmem>>)
    %dma_wait3A_539 = arith.constant 3 : i32
    %dma_wait3A_540 = arith.constant 128 : i32
    %dma_wait3A_541 = arith.constant 0 : i32
    %dma_wait3A_542 = tpu.memref_slice %arg8[%dma_wait3A_539, %dma_wait3A_540, %dma_wait3A_541] : memref<4x200x128xf32, #tpu.memory_space<vmem>> -> memref<1x72x128xf32, #tpu.memory_space<vmem>>
    %dma_wait3A_543 = tpu.memref_squeeze %dma_wait3A_542 : memref<1x72x128xf32, #tpu.memory_space<vmem>> -> memref<72x128xf32, #tpu.memory_space<vmem>>
    %dma_wait3A_544 = arith.constant 6576 : i32
    %dma_wait3A_545 = tpu.memref_slice %arg6[%dma_wait3A_544] : memref<6656xi32, #tpu.memory_space<vmem>> -> memref<72xi32, #tpu.memory_space<vmem>>
    %dma_wait3A_546 = arith.constant 0 : i32
    %dma_wait3A_547 = arith.constant 0 : i32
    %dma_wait3A_548 = tpu.memref_slice %arg3[%dma_wait3A_546, %dma_wait3A_547] : memref<204800x128xf32, #tpu.memory_space<hbm>> -> memref<204800x128xf32, #tpu.memory_space<hbm>>
    tpu.wait_indirect_dma semaphore(%arg9 : memref<!tpu.dma_semaphore, #tpu.memory_space<semaphore_mem>>) src(%dma_wait3A_548 : memref<204800x128xf32, #tpu.memory_space<hbm>>) dst(%dma_wait3A_543 : memref<72x128xf32, #tpu.memory_space<vmem>>)
    %add3A_549 = arith.constant 31 : i32
    %add3A_550 = arith.addi %mul3A_2, %add3A_549 : i32
    %mul3A_551 = arith.constant 200 : i32
    %mul3A_552 = arith.muli %add3A_550, %mul3A_551 : i32
    %dma_start3A_553 = arith.constant 3 : i32
    %dma_start3A_554 = arith.constant 0 : i32
    %dma_start3A_555 = arith.constant 0 : i32
    %dma_start3A_556 = tpu.memref_slice %arg8[%dma_start3A_553, %dma_start3A_554, %dma_start3A_555] : memref<4x200x128xf32, #tpu.memory_space<vmem>> -> memref<1x200x128xf32, #tpu.memory_space<vmem>>
    %dma_start3A_557 = tpu.memref_squeeze %dma_start3A_556 : memref<1x200x128xf32, #tpu.memory_space<vmem>> -> memref<200x128xf32, #tpu.memory_space<vmem>>
    %dma_start3A_558 = arith.constant 0 : i32
    %dma_start3A_559 = tpu.memref_slice %arg4[%mul3A_552, %dma_start3A_558] : memref<204800x128xf32, #tpu.memory_space<hbm>> -> memref<200x128xf32, #tpu.memory_space<hbm>>
    %dma_start3A_560 = arith.constant 0 : i32
    %dma_start3A_561 = tpu.memref_slice %arg4[%mul3A_552, %dma_start3A_560] : memref<204800x128xf32, #tpu.memory_space<hbm>> -> memref<200x128xf32, #tpu.memory_space<hbm>>
    %dma_start3A_562 = arith.constant 0 : i32
    %dma_start3A_563 = arith.constant 0 : i32
    %dma_start3A_564 = tpu.memref_slice %arg8[%dma_start3A_553, %dma_start3A_562, %dma_start3A_563] : memref<4x200x128xf32, #tpu.memory_space<vmem>> -> memref<1x200x128xf32, #tpu.memory_space<vmem>>
    %dma_start3A_565 = tpu.memref_squeeze %dma_start3A_564 : memref<1x200x128xf32, #tpu.memory_space<vmem>> -> memref<200x128xf32, #tpu.memory_space<vmem>>
    tpu.enqueue_dma source(%dma_start3A_565 : memref<200x128xf32, #tpu.memory_space<vmem>>) target(%dma_start3A_561 : memref<200x128xf32, #tpu.memory_space<hbm>>) target_semaphore(%arg10 : memref<!tpu.dma_semaphore, #tpu.memory_space<semaphore_mem>>)
    %mul3A_566 = arith.constant 200 : i32
    %mul3A_567 = arith.muli %mul3A_2, %mul3A_566 : i32
    %dma_wait3A_568 = arith.constant 0 : i32
    %dma_wait3A_569 = arith.constant 0 : i32
    %dma_wait3A_570 = arith.constant 0 : i32
    %dma_wait3A_571 = tpu.memref_slice %arg8[%dma_wait3A_568, %dma_wait3A_569, %dma_wait3A_570] : memref<4x200x128xf32, #tpu.memory_space<vmem>> -> memref<1x200x128xf32, #tpu.memory_space<vmem>>
    %dma_wait3A_572 = tpu.memref_squeeze %dma_wait3A_571 : memref<1x200x128xf32, #tpu.memory_space<vmem>> -> memref<200x128xf32, #tpu.memory_space<vmem>>
    %dma_wait3A_573 = arith.constant 0 : i32
    %dma_wait3A_574 = tpu.memref_slice %arg4[%mul3A_567, %dma_wait3A_573] : memref<204800x128xf32, #tpu.memory_space<hbm>> -> memref<200x128xf32, #tpu.memory_space<hbm>>
    %dma_wait3A_575 = arith.constant 0 : i32
    %dma_wait3A_576 = tpu.memref_slice %arg4[%mul3A_567, %dma_wait3A_575] : memref<204800x128xf32, #tpu.memory_space<hbm>> -> memref<200x128xf32, #tpu.memory_space<hbm>>
    %dma_wait3A_577 = arith.constant 0 : i32
    %dma_wait3A_578 = arith.constant 0 : i32
    %dma_wait3A_579 = tpu.memref_slice %arg8[%dma_wait3A_568, %dma_wait3A_577, %dma_wait3A_578] : memref<4x200x128xf32, #tpu.memory_space<vmem>> -> memref<1x200x128xf32, #tpu.memory_space<vmem>>
    %dma_wait3A_580 = tpu.memref_squeeze %dma_wait3A_579 : memref<1x200x128xf32, #tpu.memory_space<vmem>> -> memref<200x128xf32, #tpu.memory_space<vmem>>
    tpu.wait_dma2 semaphore(%arg10 : memref<!tpu.dma_semaphore, #tpu.memory_space<semaphore_mem>>) src(%dma_wait3A_580 : memref<200x128xf32, #tpu.memory_space<vmem>>) dst(%dma_wait3A_576 : memref<200x128xf32, #tpu.memory_space<hbm>>)
    %mul3A_581 = arith.constant 200 : i32
    %mul3A_582 = arith.muli %mul3A_2, %mul3A_581 : i32
    %dma_wait3A_583 = arith.constant 0 : i32
    %dma_wait3A_584 = arith.constant 0 : i32
    %dma_wait3A_585 = arith.constant 0 : i32
    %dma_wait3A_586 = tpu.memref_slice %arg8[%dma_wait3A_583, %dma_wait3A_584, %dma_wait3A_585] : memref<4x200x128xf32, #tpu.memory_space<vmem>> -> memref<1x200x128xf32, #tpu.memory_space<vmem>>
    %dma_wait3A_587 = tpu.memref_squeeze %dma_wait3A_586 : memref<1x200x128xf32, #tpu.memory_space<vmem>> -> memref<200x128xf32, #tpu.memory_space<vmem>>
    %dma_wait3A_588 = arith.constant 0 : i32
    %dma_wait3A_589 = tpu.memref_slice %arg4[%mul3A_582, %dma_wait3A_588] : memref<204800x128xf32, #tpu.memory_space<hbm>> -> memref<200x128xf32, #tpu.memory_space<hbm>>
    %dma_wait3A_590 = arith.constant 0 : i32
    %dma_wait3A_591 = tpu.memref_slice %arg4[%mul3A_582, %dma_wait3A_590] : memref<204800x128xf32, #tpu.memory_space<hbm>> -> memref<200x128xf32, #tpu.memory_space<hbm>>
    %dma_wait3A_592 = arith.constant 0 : i32
    %dma_wait3A_593 = arith.constant 0 : i32
    %dma_wait3A_594 = tpu.memref_slice %arg8[%dma_wait3A_583, %dma_wait3A_592, %dma_wait3A_593] : memref<4x200x128xf32, #tpu.memory_space<vmem>> -> memref<1x200x128xf32, #tpu.memory_space<vmem>>
    %dma_wait3A_595 = tpu.memref_squeeze %dma_wait3A_594 : memref<1x200x128xf32, #tpu.memory_space<vmem>> -> memref<200x128xf32, #tpu.memory_space<vmem>>
    tpu.wait_dma2 semaphore(%arg10 : memref<!tpu.dma_semaphore, #tpu.memory_space<semaphore_mem>>) src(%dma_wait3A_595 : memref<200x128xf32, #tpu.memory_space<vmem>>) dst(%dma_wait3A_591 : memref<200x128xf32, #tpu.memory_space<hbm>>)
    %mul3A_596 = arith.constant 200 : i32
    %mul3A_597 = arith.muli %mul3A_2, %mul3A_596 : i32
    %dma_wait3A_598 = arith.constant 0 : i32
    %dma_wait3A_599 = arith.constant 0 : i32
    %dma_wait3A_600 = arith.constant 0 : i32
    %dma_wait3A_601 = tpu.memref_slice %arg8[%dma_wait3A_598, %dma_wait3A_599, %dma_wait3A_600] : memref<4x200x128xf32, #tpu.memory_space<vmem>> -> memref<1x200x128xf32, #tpu.memory_space<vmem>>
    %dma_wait3A_602 = tpu.memref_squeeze %dma_wait3A_601 : memref<1x200x128xf32, #tpu.memory_space<vmem>> -> memref<200x128xf32, #tpu.memory_space<vmem>>
    %dma_wait3A_603 = arith.constant 0 : i32
    %dma_wait3A_604 = tpu.memref_slice %arg4[%mul3A_597, %dma_wait3A_603] : memref<204800x128xf32, #tpu.memory_space<hbm>> -> memref<200x128xf32, #tpu.memory_space<hbm>>
    %dma_wait3A_605 = arith.constant 0 : i32
    %dma_wait3A_606 = tpu.memref_slice %arg4[%mul3A_597, %dma_wait3A_605] : memref<204800x128xf32, #tpu.memory_space<hbm>> -> memref<200x128xf32, #tpu.memory_space<hbm>>
    %dma_wait3A_607 = arith.constant 0 : i32
    %dma_wait3A_608 = arith.constant 0 : i32
    %dma_wait3A_609 = tpu.memref_slice %arg8[%dma_wait3A_598, %dma_wait3A_607, %dma_wait3A_608] : memref<4x200x128xf32, #tpu.memory_space<vmem>> -> memref<1x200x128xf32, #tpu.memory_space<vmem>>
    %dma_wait3A_610 = tpu.memref_squeeze %dma_wait3A_609 : memref<1x200x128xf32, #tpu.memory_space<vmem>> -> memref<200x128xf32, #tpu.memory_space<vmem>>
    tpu.wait_dma2 semaphore(%arg10 : memref<!tpu.dma_semaphore, #tpu.memory_space<semaphore_mem>>) src(%dma_wait3A_610 : memref<200x128xf32, #tpu.memory_space<vmem>>) dst(%dma_wait3A_606 : memref<200x128xf32, #tpu.memory_space<hbm>>)
    %mul3A_611 = arith.constant 200 : i32
    %mul3A_612 = arith.muli %mul3A_2, %mul3A_611 : i32
    %dma_wait3A_613 = arith.constant 0 : i32
    %dma_wait3A_614 = arith.constant 0 : i32
    %dma_wait3A_615 = arith.constant 0 : i32
    %dma_wait3A_616 = tpu.memref_slice %arg8[%dma_wait3A_613, %dma_wait3A_614, %dma_wait3A_615] : memref<4x200x128xf32, #tpu.memory_space<vmem>> -> memref<1x200x128xf32, #tpu.memory_space<vmem>>
    %dma_wait3A_617 = tpu.memref_squeeze %dma_wait3A_616 : memref<1x200x128xf32, #tpu.memory_space<vmem>> -> memref<200x128xf32, #tpu.memory_space<vmem>>
    %dma_wait3A_618 = arith.constant 0 : i32
    %dma_wait3A_619 = tpu.memref_slice %arg4[%mul3A_612, %dma_wait3A_618] : memref<204800x128xf32, #tpu.memory_space<hbm>> -> memref<200x128xf32, #tpu.memory_space<hbm>>
    %dma_wait3A_620 = arith.constant 0 : i32
    %dma_wait3A_621 = tpu.memref_slice %arg4[%mul3A_612, %dma_wait3A_620] : memref<204800x128xf32, #tpu.memory_space<hbm>> -> memref<200x128xf32, #tpu.memory_space<hbm>>
    %dma_wait3A_622 = arith.constant 0 : i32
    %dma_wait3A_623 = arith.constant 0 : i32
    %dma_wait3A_624 = tpu.memref_slice %arg8[%dma_wait3A_613, %dma_wait3A_622, %dma_wait3A_623] : memref<4x200x128xf32, #tpu.memory_space<vmem>> -> memref<1x200x128xf32, #tpu.memory_space<vmem>>
    %dma_wait3A_625 = tpu.memref_squeeze %dma_wait3A_624 : memref<1x200x128xf32, #tpu.memory_space<vmem>> -> memref<200x128xf32, #tpu.memory_space<vmem>>
    tpu.wait_dma2 semaphore(%arg10 : memref<!tpu.dma_semaphore, #tpu.memory_space<semaphore_mem>>) src(%dma_wait3A_625 : memref<200x128xf32, #tpu.memory_space<vmem>>) dst(%dma_wait3A_621 : memref<200x128xf32, #tpu.memory_space<hbm>>)
    return
  }
}

module attributes {stable_mosaic.version = 14 : i64} {
  func.func @body(%arg0: i32, %arg1: memref<64x128xf32, #tpu.memory_space<vmem>>, %arg2: memref<64x200x128xf32, #tpu.memory_space<vmem>>) attributes {dimension_semantics = [#tpu.dimension_semantics<arbitrary>], iteration_bounds = array<i64: 16>, scalar_prefetch = 0 : i64, scratch_operands = 0 : i64, tpu.core_type = #tpu.core_type<tc>, window_params = [{transform_indices = @transform_0, window_bounds = array<i64: 64, 128>}, {transform_indices = @transform_1, window_bounds = array<i64: 64, 200, 128>}]} {
    %get3A = arith.constant 0 : index
    %get3A_0 = arith.constant 0 : index
    %get3A_1 = vector.load %arg1[%get3A, %get3A_0] : memref<64x128xf32, #tpu.memory_space<vmem>>, vector<64x128xf32>
    %broadcast_in_dim3A = vector.shape_cast %get3A_1 : vector<64x128xf32> to vector<64x1x128xf32>
    %broadcast_in_dim3A_2 = vector.shape_cast %broadcast_in_dim3A : vector<64x1x128xf32> to vector<64x1x128xf32>
    %broadcast_in_dim3A_3 = vector.broadcast %broadcast_in_dim3A_2 : vector<64x1x128xf32> to vector<64x200x128xf32>
    %swap3A = arith.constant 0 : index
    %swap3A_4 = arith.constant 0 : index
    %swap3A_5 = arith.constant 0 : index
    %swap3A_6 = vector.load %arg2[%swap3A, %swap3A_4, %swap3A_5] : memref<64x200x128xf32, #tpu.memory_space<vmem>>, vector<64x200x128xf32>
    tpu.vector_store %arg2[%swap3A, %swap3A_4, %swap3A_5], %broadcast_in_dim3A_3 {strides = array<i32>} : memref<64x200x128xf32, #tpu.memory_space<vmem>>, vector<64x200x128xf32>,
    return
  }
  func.func @transform_0(%arg0: i32) -> (i32, i32) {
    %c0_i32 = arith.constant 0 : i32
    %c0_i32_0 = arith.constant 0 : i32
    return %arg0, %c0_i32 : i32, i32
  }
  func.func @transform_1(%arg0: i32) -> (i32, i32, i32) {
    %c0_i32 = arith.constant 0 : i32
    %c0_i32_0 = arith.constant 0 : i32
    %c0_i32_1 = arith.constant 0 : i32
    return %arg0, %c0_i32, %c0_i32_0 : i32, i32, i32
  }
}

</mosaic_0001>

<sc_bundles>
// kernel: kernel.4.cloned.1.call-start
scs
__scs_entry_jumppad:
0x0: {  	(pc) =	sbr.rel $0x88, $3  }
0x1: {  	(tag) =	ssettag $0x0;
	lr =	simm.s32 $0x1  }
0x2: {  	[smem:$0x3F9E] =	sst lr;
	_ =	strace $0xD0000000  }
0x3: {  	_ = 	snop  }
0x4: {  	_ = 	snop  }
0x5: {  	_ = 	snop  }
0x6: {  	_ = 	snop  }
0x7: {  	_ = 	snop  }
__scs_overlays_trampoline_lowered:
0x8: {  	[smem:$0x3FAD] =	sst s0  }
0x9: {  	[smem:$0x3FAE] =	sst s1  }
0xa: {  	[smem:$0x3FAF] =	sst s2  }
0xb: {  	[smem:$0x3FB0] =	sst s3  }
0xc: {  	[smem:$0x3FB1] =	sst s4  }
0xd: {  	[smem:$0x3FB2] =	sst s5  }
0xe: {  	[smem:$0x3FB3] =	sst s6  }
0xf: {  	[smem:$0x3FB4] =	sst s7  }
0x10: {  	[smem:$0x3FB5] =	sst s8  }
0x11: {  	[smem:$0x3FB6] =	sst s9;
	s0 =	simm.s32 @!p0 $0x0  }
0x12: {  	s1 =	sld [smem:$0x3F9C];
	s0 =	simm.s32 @p0 $0x1  }
0x13: {  	[smem:$0x3FB7] =	sst s0;
	s0 =	simm.s32 @!p1 $0x0  }
0x14: {  	s2 =	sld [smem:$0x3F9B];
	s0 =	simm.s32 @p1 $0x1  }
0x15: {  	[smem:$0x3FB8] =	sst s0;
	s0 =	simm.s32 @!p2 $0x0  }
0x16: {  	s3 =	sld [smem:$0x3FDB];
	s0 =	simm.s32 @p2 $0x1  }
0x17: {  	s4 =	simm.s32 $0x1BF5;
	[smem:$0x3FBA] =	sst s0  }
0x18: {  	s0 =	sld [smem:$0x3F9D];
	_ =	swait.ge [sflag:s4], $0x0  }
0x19: {  	s7 =	sld [smem:$0x3F9E]  }
0x1a: {  	s8 =	sadd.s32 $0xFFFFE003, lr  }
0x1b: {  	s9 =	sadd.s32 $0xFFFFFEF7, lr;
	s5 =	simm.s32 $0xFFFFFFFF;
	p2 =	slt.u32 s8, $0xFFFFF086  }
0x1c: {  	p1 =	slt.u32 s9, $0xF7A;
	s5 =	simm.s32 @!p2 $0x0  }
0x1d: {  	s5 =	simm.s32 @p1 $0x1;
	p0 =	seq.s32 s7, s2  }
0x1e: {  	s7 =	smul.u32 @!p0 $0xF7A, s2;
	p2 =	seq.s32 @!p0 s5, $0x0  }
0x1f: {  	s9 =	smul.u32 $0xF7A, s1;
	s8 =	simm.s32 @!p0 $0x1BF5;
	p2 =	por !p2, p0  }
0x20: {  	[sflag:s8] =	ssyncset.s32 @!p0 $0xFFFFF086;
	s6 =	sadd.s32 @!p0 s3, s7;
	s7 =	simm.s32 @!p0 $0x108  }
0x21: {  	s3 =	sadd.s32 s3, s9;
	s6 =	sadd.s32 @!p0 $0x88, s6;
	s7 =	simm.s32 @p2 $0x1082  }
0x22: {  	[simem:s7], [sflag:s8] =	dma.local @!p0 [hbm:s6], $0xF7A  }
0x23: {  	s9 =	sor.u32 $0xD0000000, s2;
	s6 =	simm.s32 $0x108;
	_ =	swait.ge @!p0 [sflag:s8], $0x0  }
0x24: {  	s3 =	sadd.s32 $0x88, s3;
	s6 =	simm.s32 @!p1 $0x1082;
	[sflag:s4] =	ssyncset.s32 $0xFFFFF086  }
0x25: {  	[simem:s6], [sflag:s4] =	dma.local [hbm:s3], $0xF7A  }
0x26: {  	[smem:$0x3F9E] =	sst s1;
	(tag) =	ssettag s2;
	_ =	strace s9  }
0x27: {  	s1 =	sld [smem:$0x3FAE]  }
0x28: {  	s2 =	sld [smem:$0x3FAF]  }
0x29: {  	s4 =	sld [smem:$0x3FB1]  }
0x2a: {  	p0 =	seq.s32 s5, $0x0;
	s5 =	sld [smem:$0x3FB2]  }
0x2b: {  	s6 =	sld [smem:$0x3FB3]  }
0x2c: {  	s7 =	sld [smem:$0x3FB4]  }
0x2d: {  	s3 =	simm.s32 $0x108;
	s8 =	sld [smem:$0x3FB5]  }
0x2e: {  	s3 =	simm.s32 @!p0 $0x1082;
	s9 =	sld [smem:$0x3FB6]  }
0x2f: {  	lr =	sadd.s32 s0, s3;
	s0 =	sld [smem:$0x3FAD]  }
0x30: {  	s3 =	sld [smem:$0x3FB0]  }
0x31: {  	[smem:$0x3FB9] =	sst s10  }
0x32: {  	s10 =	sld [smem:$0x3FB7];
	_ =	sdelay $0x3  }
0x33: {  	p0 =	seq.s32 s10, $0x1;
	s10 =	sld [smem:$0x3FB9];
	_ =	sdelay $0x3  }
0x34: {  	[smem:$0x3FB9] =	sst s10  }
0x35: {  	s10 =	sld [smem:$0x3FB8];
	_ =	sdelay $0x3  }
0x36: {  	p1 =	seq.s32 s10, $0x1;
	s10 =	sld [smem:$0x3FB9];
	_ =	sdelay $0x3  }
0x37: {  	[smem:$0x3FB9] =	sst s10  }
0x38: {  	s10 =	sld [smem:$0x3FBA]  }
0x39: {  	_ = 	snop;
	(pc) =	sbr.ind lr, $3  }
0x3a: {  	_ = 	snop  }
0x3b: {  	_ = 	snop  }
0x3c: {  	p2 =	seq.s32 s10, $0x1;
	s10 =	sld [smem:$0x3FB9]  }
0x3d: {  	_ =	shalt  }
0x3e: {  	_ =	shalt  }
0x3f: {  	_ =	shalt  }
0x40: {  	_ =	shalt  }
0x41: {  	_ =	shalt  }
0x42: {  	_ =	shalt  }
0x43: {  	_ =	shalt  }
0x44: {  	_ =	shalt  }
0x45: {  	_ =	shalt  }
0x46: {  	_ =	shalt  }
0x47: {  	_ =	shalt  }
0x48: {  	_ =	shalt  }
0x49: {  	_ =	shalt  }
0x4a: {  	_ =	shalt  }
0x4b: {  	_ =	shalt  }
0x4c: {  	_ =	shalt  }
0x4d: {  	_ =	shalt  }
0x4e: {  	_ =	shalt  }
0x4f: {  	_ =	shalt  }
0x50: {  	_ =	shalt  }
0x51: {  	_ =	shalt  }
0x52: {  	_ =	shalt  }
0x53: {  	_ =	shalt  }
0x54: {  	_ =	shalt  }
0x55: {  	_ =	shalt  }
0x56: {  	_ =	shalt  }
0x57: {  	_ =	shalt  }
0x58: {  	_ =	shalt  }
0x59: {  	_ =	shalt  }
0x5a: {  	_ =	shalt  }
0x5b: {  	_ =	shalt  }
0x5c: {  	_ =	shalt  }
0x5d: {  	_ =	shalt  }
0x5e: {  	_ =	shalt  }
0x5f: {  	_ =	shalt  }
0x60: {  	_ =	shalt  }
0x61: {  	_ =	shalt  }
0x62: {  	_ =	shalt  }
0x63: {  	_ =	shalt  }
0x64: {  	_ =	shalt  }
0x65: {  	_ =	shalt  }
0x66: {  	_ =	shalt  }
0x67: {  	_ =	shalt  }
0x68: {  	_ =	shalt  }
0x69: {  	_ =	shalt  }
0x6a: {  	_ =	shalt  }
0x6b: {  	_ =	shalt  }
0x6c: {  	_ =	shalt  }
0x6d: {  	_ =	shalt  }
0x6e: {  	_ =	shalt  }
0x6f: {  	_ =	shalt  }
0x70: {  	_ =	shalt  }
0x71: {  	_ =	shalt  }
0x72: {  	_ =	shalt  }
0x73: {  	_ =	shalt  }
0x74: {  	_ =	shalt  }
0x75: {  	_ =	shalt  }
0x76: {  	_ =	shalt  }
0x77: {  	_ =	shalt  }
0x78: {  	_ =	shalt  }
0x79: {  	_ =	shalt  }
0x7a: {  	_ =	shalt  }
0x7b: {  	_ =	shalt  }
0x7c: {  	_ =	shalt  }
0x7d: {  	_ =	shalt  }
0x7e: {  	_ =	shalt  }
0x7f: {  	_ =	shalt  }
0x80: {  	_ =	shalt  }
0x81: {  	_ =	shalt  }
0x82: {  	_ =	shalt  }
0x83: {  	_ =	shalt  }
0x84: {  	_ =	shalt  }
0x85: {  	_ =	shalt  }
0x86: {  	_ =	shalt  }
0x87: {  	_ =	shalt  }
.Lfunc_end0:
.L_simem_size_0:
called_computation_lowered:
.L_overlay_start_0:
0x88: {  	s2 =	sld [smem:$0x3FD9]  }
0x89: {  	s3 =	sld [smem:$0x3FFE];
	_ =	sdelay $0x1  }
0x8a: {  	s1 =	srdreg.scid  }
0x8b: {  	s0 =	sand.u32 $0x1, s1  }
0x8c: {  	s14 =	sshll.u32 s0, $0xA;
	s2 =	sadd.s32 s3, s2  }
0x8d: {  	s2 =	sadd.s32 s2, s14  }
0x8e: {  	[smem:$0x3FC5] =	sst s2  }
0x8f: {  	_ = 	snop  }
0x90: {  	s2 =	sld [smem:$0x3FD0];
	_ =	sdelay $0x2  }
0x91: {  	s4 =	simm.s32 $0xA;
	s5 =	simm.s32 $0x10;
	s15 =	sld [smem:$0x3FC8]  }
0x92: {  	[smem:s5], [sflag:s4] =	dma.local [hbm:s2], $0x1  }
0x93: {  	_ =	swait.eq [sflag:s4], $0x1  }
0x94: {  	[sflag:s4] =	ssyncset.done $0x0  }
0x95: {  	[sflag:s4] =	ssyncadd.s32 $0xFFFFFFFF  }
0x96: {  	s16 =	sld [smem:$0x11];
	(tm) =	ssettm $0x1  }
0x97: {  	s17 =	sld [smem:$0x3FFB];
	_ =	sdelay $0x3  }
0x98: {  	_ =	strace s17  }
0x99: {  	s4 =	sld [smem:$0x3FFC];
	_ =	sdelay $0x3  }
0x9a: {  	_ =	strace s4  }
0x9b: {  	s4 =	sld [smem:$0x3FFD];
	_ =	sdelay $0x3  }
0x9c: {  	_ =	strace s4  }
0x9d: {  	_ =	strace $0x8FFFFFFF  }
0x9e: {  	s18 =	sld [smem:$0x3FDB];
	_ =	sdelay $0x1  }
0x9f: {  	s19 =	simm.s32 $_scs_section_size  }
0xa0: {  	s6 =	simm.s32 $_size__tile_overlayer_lowered;
	s7 =	simm.s32 $_tile_overlayer_lowered  }
0xa1: {  	s22 =	simm.s32 $0x1BFF;
	s21 =	sshll.u32 s7, $0x1;
	s4 =	sadd.s32 s19, s18  }
0xa2: {  	s8 =	simm.s32 $0x0;
	s20 =	sshll.u32 s6, $0x1;
	s6 =	sadd.s32 s21, s4  }
0xa3: {  	[timem:s8], [sflag:s22] =	dma.local [hbm:s6], s20  }
0xa4: {  	_ =	swait.ge [sflag:s22], s20  }
0xa5: {  	s5 =	ssub.s32 $0x0, s20;
	[sflag:s22] =	ssyncset.done $0x0  }
0xa6: {  	[sflag:s22] =	ssyncadd.s32 s5;
	_ =	sdelay $0x1  }
0xa7: {  	s23 =	simm.s32 $0x1B8B  }
0xa8: {  	_ =	swait.ge [sflag:s23], $0x1  }
0xa9: {  	[sflag:s23] =	ssyncset.done $0x0  }
0xaa: {  	s25 =	simm.s32 $0x1B8E;
	s24 =	sld [smem:$0x3FFE];
	[sflag:s23] =	ssyncadd.s32 $0xFFFFFFFF  }
0xab: {  	s26 =	simm.s32 $execute0_lowered;
	[smem:$0x3FD2] =	sst s25  }
0xac: {  	s6 =	sshll.u32 s26, $0x1;
	_ =	strace $0x80000046;
	[dreg:$0x1] =	wrdreg $0xFFFFFFFF  }
0xad: {  	s28 =	simm.s32 $_size_execute0_lowered;
	s4 =	sadd.s32 s4, s6;
	[dreg:$0x0] =	wrdreg $0x0  }
0xae: {  	s6 =	sshll.u32 s28, $0x1;
	[dreg:$0x2] =	wrdreg s4  }
0xaf: {  	[dreg:$0x3] =	wrdreg s6  }
0xb0: {  	[dreg:$0x4] =	wrdreg $0xC0  }
0xb1: {  	_ =	task [dreg:s8], $0x5FFFF  }
0xb2: {  	[dreg:$0x1] =	wrdreg $0xFFFFFFFF  }
0xb3: {  	[dreg:$0x0] =	wrdreg $0x60  }
0xb4: {  	[dreg:$0x2] =	wrdreg s24  }
0xb5: {  	[dreg:$0x3] =	wrdreg s15  }
0xb6: {  	[dreg:$0x4] =	wrdreg s16  }
0xb7: {  	[dreg:$0x5] =	wrdreg $0x9  }
0xb8: {  	_ =	task.clear_ibuf [dreg:s8], $0x6FFFF;
	_ =	strace $0x90000046  }
0xb9: {  	s29 =	simm.s32 $0x9;
	_ =	strace $0x80000048  }
0xba: {  	_ =	swait.ge [sflag:s29], $0x1  }
0xbb: {  	[sflag:s29] =	ssyncadd.s32 $0xFFFFFFFF  }
0xbc: {  	_ =	strace $0x90000048  }
0xbd: {  	_ =	sfence  }
0xbe: {  	s30 =	sld [smem:$0x0];
	_ =	sdelay $0x2  }
0xbf: {  	s31 =	sshll.u32 s1, $0xD;
	s1 =	sshrl.u32 s1, $0x2  }
0xc0: {  	s3 =	sand.u32 $0x4000, s31;
	s1 =	sadd.s32 s1, s30  }
0xc1: {  	s0 =	sor.u32 s3, s0;
	s1 =	sshll.u32 s1, $0x11  }
0xc2: {  	s0 =	sor.u32 s1, s0  }
0xc3: {  	s0 =	sadd.s32 $0x8F2B, s0  }
0xc4: {  	[sflag:s0] =	ssyncadd.remote.s32 $0x1  }
0xc5: {  	_ =	sfence.sel $0xFFFF  }
0xc6: {  	[dreg:$0x0] =	wrdreg $0xFFFFFFFF;
	(pc) =	sbr.abs _section_cstart, $3  }
0xc7: {  	[dreg:$0x1] =	wrdreg $0xFFFFFFFF  }
0xc8: {  	_ =	task.clear_ibuf [dreg:s8], $0x2FFFF;
	_ =	strace $0x9FFFFFFF  }
0xc9: {  	(tm) =	ssettm $0x7FFFFFFF  }
tec
execute0_lowered:
.L_overlay_start_1:
0x0: {  	(tag) =	ssettag $0x1  }
0x1: {  	v1 =	vlaneseq.u32;
	v2 =	vimm.s32 $0x0  }
0x2: {  	vm0 =	vcmask $0x3F20;
	v38 =	vimm.s32 $0x800000C7;
	vm15 =	vcmask $0x300  }
0x3: {  	vm14 =	vcmask $0x704;
	v39 =	vimm.f32 $1.500000000e+01;
	vm13 =	vcmask $0xB08  }
0x4: {  	vm12 =	vcmask $0xF0C;
	vm11 =	vcmask $0x1310;
	vm10 =	vcmask $0x1714  }
0x5: {  	vm9 =	vcmask $0x1B18;
	vm8 =	vcmask $0x1F1C;
	vm7 =	vcmask $0x2320  }
0x6: {  	vm6 =	vcmask $0x2724;
	vm5 =	vcmask $0x2B28;
	vm4 =	vcmask $0x2F2C  }
0x7: {  	vm3 =	vcmask $0x3330;
	vm2 =	vcmask $0x3734;
	vm1 =	vcmask $0x3B38  }
0x8: {  	v42 =	vimm.f32 $3.100000000e+01;
	v43 =	vimm.f32 $4.700000000e+01;
	v44 =	vimm.f32 $6.300000000e+01  }
0x9: {  	v45 =	vimm.f32 $7.900000000e+01;
	v46 =	vimm.f32 $9.500000000e+01;
	v47 =	vimm.f32 $1.110000000e+02  }
0xa: {  	v48 =	vimm.f32 $1.270000000e+02;
	v49 =	vimm.f32 $1.430000000e+02;
	v50 =	vimm.f32 $1.590000000e+02  }
0xb: {  	v51 =	vimm.f32 $1.750000000e+02;
	v52 =	vimm.f32 $1.910000000e+02;
	v53 =	vimm.f32 $2.070000000e+02  }
0xc: {  	v3 =	vor.u32 $0x80001000, v1;
	v4 =	vor.u32 $0x80000000, v1;
	v5 =	vor.u32 $0x80001010, v1  }
0xd: {  	v6 =	vor.u32 $0x80000010, v1;
	v7 =	vor.u32 $0x10, v1;
	v8 =	vor.u32 $0x80001020, v1  }
0xe: {  	v9 =	vor.u32 $0x80000020, v1;
	v10 =	vor.u32 $0x20, v1;
	v11 =	vor.u32 $0x80001030, v1  }
0xf: {  	v12 =	vor.u32 $0x80000030, v1;
	v13 =	vor.u32 $0x30, v1;
	v14 =	vor.u32 $0x80001040, v1  }
0x10: {  	v15 =	vor.u32 $0x80000040, v1;
	v16 =	vor.u32 $0x40, v1;
	v17 =	vor.u32 $0x80001050, v1  }
0x11: {  	v18 =	vor.u32 $0x80000050, v1;
	v19 =	vor.u32 $0x50, v1;
	v20 =	vor.u32 $0x80001060, v1  }
0x12: {  	v21 =	vor.u32 $0x80000060, v1;
	v22 =	vor.u32 $0x60, v1;
	v23 =	vor.u32 $0x80001070, v1  }
0x13: {  	v24 =	vor.u32 $0x80000070, v1;
	v25 =	vor.u32 $0x70, v1;
	v26 =	vor.u32 $0x80001080, v1  }
0x14: {  	v27 =	vor.u32 $0x80000080, v1;
	v28 =	vor.u32 $0x80, v1;
	v29 =	vor.u32 $0x80001090, v1  }
0x15: {  	v30 =	vor.u32 $0x80000090, v1;
	v31 =	vor.u32 $0x90, v1;
	v32 =	vor.u32 $0x800010A0, v1  }
0x16: {  	v33 =	vor.u32 $0x800000A0, v1;
	v34 =	vor.u32 $0xA0, v1;
	v35 =	vor.u32 $0x800010B0, v1  }
0x17: {  	v36 =	vor.u32 $0x800000B0, v1;
	v37 =	vor.u32 $0xB0, v1;
	v38 =	vsel vm15, $0x800010B8, v38  }
0x18: {  	v39 =	vsel vm15, $0x0, v39;
	v42 =	vsel vm15, $0x41800000, v42;
	v43 =	vsel vm15, $0x42000000, v43  }
0x19: {  	v44 =	vsel vm15, $0x42400000, v44;
	v45 =	vsel vm15, $0x42800000, v45;
	v46 =	vsel vm15, $0x42A00000, v46  }
0x1a: {  	v47 =	vsel vm15, $0x42C00000, v47;
	v48 =	vsel vm15, $0x42E00000, v48;
	v49 =	vsel vm15, $0x43000000, v49  }
0x1b: {  	v50 =	vsel vm15, $0x43100000, v50;
	v51 =	vsel vm15, $0x43200000, v51;
	v52 =	vsel vm15, $0x43300000, v52  }
0x1c: {  	v53 =	vsel vm15, $0x43400000, v53;
	v54 =	vor.u32 $0xC0, v1;
	v38 =	vsel vm14, $0x800010B9, v38  }
0x1d: {  	v39 =	vsel vm14, $0x3F800000, v39;
	v42 =	vsel vm14, $0x41880000, v42;
	v43 =	vsel vm14, $0x42040000, v43  }
0x1e: {  	v44 =	vsel vm14, $0x42440000, v44;
	v45 =	vsel vm14, $0x42820000, v45;
	v46 =	vsel vm14, $0x42A20000, v46  }
0x1f: {  	v47 =	vsel vm14, $0x42C20000, v47;
	v48 =	vsel vm14, $0x42E20000, v48;
	v49 =	vsel vm14, $0x43010000, v49  }
0x20: {  	v50 =	vsel vm14, $0x43110000, v50;
	v51 =	vsel vm14, $0x43210000, v51;
	v52 =	vsel vm14, $0x43310000, v52  }
0x21: {  	v53 =	vsel vm14, $0x43410000, v53;
	v38 =	vsel vm13, $0x800010BA, v38;
	v39 =	vsel vm13, $0x40000000, v39  }
0x22: {  	v42 =	vsel vm13, $0x41900000, v42;
	v43 =	vsel vm13, $0x42080000, v43;
	v44 =	vsel vm13, $0x42480000, v44  }
0x23: {  	v45 =	vsel vm13, $0x42840000, v45;
	v46 =	vsel vm13, $0x42A40000, v46;
	v47 =	vsel vm13, $0x42C40000, v47  }
0x24: {  	v48 =	vsel vm13, $0x42E40000, v48;
	v49 =	vsel vm13, $0x43020000, v49;
	v50 =	vsel vm13, $0x43120000, v50  }
0x25: {  	s1 =	srdreg.scid;
	s0 =	stileid.u32;
	v51 =	vsel vm13, $0x43220000, v51;
	v52 =	vsel vm13, $0x43320000, v52;
	v53 =	vsel vm13, $0x43420000, v53  }
0x26: {  	s4 =	sand.u32 $0x1, s1;
	s28 =	sshll.u32 s0, $0x1;
	v38 =	vsel vm12, $0x800010BB, v38;
	v39 =	vsel vm12, $0x40400000, v39;
	v42 =	vsel vm12, $0x41980000, v42  }
0x27: {  	s5 =	sor.u32 s4, s28;
	v43 =	vsel vm12, $0x420C0000, v43;
	v44 =	vsel vm12, $0x424C0000, v44;
	v45 =	vsel vm12, $0x42860000, v45  }
0x28: {  	s1 =	smul.u32 $0x1900, s5;
	v46 =	vsel vm12, $0x42A60000, v46;
	v47 =	vsel vm12, $0x42C60000, v47;
	v48 =	vsel vm12, $0x42E60000, v48  }
0x29: {  	v49 =	vsel vm12, $0x43030000, v49;
	v50 =	vsel vm12, $0x43130000, v50;
	v51 =	vsel vm12, $0x43230000, v51  }
0x2a: {  	v52 =	vsel vm12, $0x43330000, v52;
	v53 =	vsel vm12, $0x43430000, v53;
	v0 =	vmov s1  }
0x2b: {  	v38 =	vsel vm11, $0x800010BC, v38;
	v39 =	vsel vm11, $0x40800000, v39;
	v42 =	vsel vm11, $0x41A00000, v42  }
0x2c: {  	v43 =	vsel vm11, $0x42100000, v43;
	v44 =	vsel vm11, $0x42500000, v44;
	v45 =	vsel vm11, $0x42880000, v45  }
0x2d: {  	v46 =	vsel vm11, $0x42A80000, v46;
	v47 =	vsel vm11, $0x42C80000, v47;
	v48 =	vsel vm11, $0x42E80000, v48  }
0x2e: {  	v49 =	vsel vm11, $0x43040000, v49;
	v50 =	vsel vm11, $0x43140000, v50;
	v51 =	vsel vm11, $0x43240000, v51  }
0x2f: {  	v52 =	vsel vm11, $0x43340000, v52;
	v53 =	vsel vm11, $0x43440000, v53;
	v38 =	vsel vm10, $0x800010BD, v38  }
0x30: {  	v39 =	vsel vm10, $0x40A00000, v39;
	v42 =	vsel vm10, $0x41A80000, v42;
	v43 =	vsel vm10, $0x42140000, v43  }
0x31: {  	v44 =	vsel vm10, $0x42540000, v44;
	v45 =	vsel vm10, $0x428A0000, v45;
	v46 =	vsel vm10, $0x42AA0000, v46  }
0x32: {  	v47 =	vsel vm10, $0x42CA0000, v47;
	v48 =	vsel vm10, $0x42EA0000, v48;
	v49 =	vsel vm10, $0x43050000, v49  }
0x33: {  	v50 =	vsel vm10, $0x43150000, v50;
	v51 =	vsel vm10, $0x43250000, v51;
	v52 =	vsel vm10, $0x43350000, v52  }
0x34: {  	v53 =	vsel vm10, $0x43450000, v53;
	v38 =	vsel vm9, $0x800010BE, v38;
	v39 =	vsel vm9, $0x40C00000, v39  }
0x35: {  	v42 =	vsel vm9, $0x41B00000, v42;
	v43 =	vsel vm9, $0x42180000, v43;
	v44 =	vsel vm9, $0x42580000, v44  }
0x36: {  	v45 =	vsel vm9, $0x428C0000, v45;
	v46 =	vsel vm9, $0x42AC0000, v46;
	v47 =	vsel vm9, $0x42CC0000, v47  }
0x37: {  	v48 =	vsel vm9, $0x42EC0000, v48;
	v49 =	vsel vm9, $0x43060000, v49;
	v50 =	vsel vm9, $0x43160000, v50  }
0x38: {  	v51 =	vsel vm9, $0x43260000, v51;
	v52 =	vsel vm9, $0x43360000, v52;
	v53 =	vsel vm9, $0x43460000, v53  }
0x39: {  	v38 =	vsel vm8, $0x800010BF, v38;
	v39 =	vsel vm8, $0x40E00000, v39;
	v42 =	vsel vm8, $0x41B80000, v42  }
0x3a: {  	v43 =	vsel vm8, $0x421C0000, v43;
	v44 =	vsel vm8, $0x425C0000, v44;
	v45 =	vsel vm8, $0x428E0000, v45  }
0x3b: {  	v46 =	vsel vm8, $0x42AE0000, v46;
	v47 =	vsel vm8, $0x42CE0000, v47;
	v48 =	vsel vm8, $0x42EE0000, v48  }
0x3c: {  	v49 =	vsel vm8, $0x43070000, v49;
	v50 =	vsel vm8, $0x43170000, v50;
	v51 =	vsel vm8, $0x43270000, v51  }
0x3d: {  	v52 =	vsel vm8, $0x43370000, v52;
	v53 =	vsel vm8, $0x43470000, v53;
	v38 =	vsel vm7, $0x800000C0, v38  }
0x3e: {  	v39 =	vsel vm7, $0x41000000, v39;
	v42 =	vsel vm7, $0x41C00000, v42;
	v43 =	vsel vm7, $0x42200000, v43  }
0x3f: {  	v44 =	vsel vm7, $0x42600000, v44;
	v45 =	vsel vm7, $0x42900000, v45;
	v46 =	vsel vm7, $0x42B00000, v46  }
0x40: {  	v47 =	vsel vm7, $0x42D00000, v47;
	v48 =	vsel vm7, $0x42F00000, v48;
	v49 =	vsel vm7, $0x43080000, v49  }
0x41: {  	v50 =	vsel vm7, $0x43180000, v50;
	v51 =	vsel vm7, $0x43280000, v51;
	v52 =	vsel vm7, $0x43380000, v52  }
0x42: {  	v53 =	vsel vm7, $0x43480000, v53;
	v38 =	vsel vm6, $0x800000C1, v38;
	v39 =	vsel vm6, $0x41100000, v39  }
0x43: {  	v42 =	vsel vm6, $0x41C80000, v42;
	v43 =	vsel vm6, $0x42240000, v43;
	v44 =	vsel vm6, $0x42640000, v44  }
0x44: {  	v45 =	vsel vm6, $0x42920000, v45;
	v46 =	vsel vm6, $0x42B20000, v46;
	v47 =	vsel vm6, $0x42D20000, v47  }
0x45: {  	v48 =	vsel vm6, $0x42F20000, v48;
	v49 =	vsel vm6, $0x43090000, v49;
	v50 =	vsel vm6, $0x43190000, v50  }
0x46: {  	v51 =	vsel vm6, $0x43290000, v51;
	v52 =	vsel vm6, $0x43390000, v52;
	v53 =	vsel vm6, $0x43490000, v53  }
0x47: {  	v38 =	vsel vm5, $0x800000C2, v38;
	v39 =	vsel vm5, $0x41200000, v39;
	v42 =	vsel vm5, $0x41D00000, v42  }
0x48: {  	v43 =	vsel vm5, $0x42280000, v43;
	v44 =	vsel vm5, $0x42680000, v44;
	v45 =	vsel vm5, $0x42940000, v45  }
0x49: {  	v46 =	vsel vm5, $0x42B40000, v46;
	v47 =	vsel vm5, $0x42D40000, v47;
	v48 =	vsel vm5, $0x42F40000, v48  }
0x4a: {  	v49 =	vsel vm5, $0x430A0000, v49;
	v50 =	vsel vm5, $0x431A0000, v50;
	v51 =	vsel vm5, $0x432A0000, v51  }
0x4b: {  	v52 =	vsel vm5, $0x433A0000, v52;
	v53 =	vsel vm5, $0x434A0000, v53;
	v38 =	vsel vm4, $0x800000C3, v38  }
0x4c: {  	v39 =	vsel vm4, $0x41300000, v39;
	v42 =	vsel vm4, $0x41D80000, v42;
	v43 =	vsel vm4, $0x422C0000, v43  }
0x4d: {  	v44 =	vsel vm4, $0x426C0000, v44;
	v45 =	vsel vm4, $0x42960000, v45;
	v46 =	vsel vm4, $0x42B60000, v46  }
0x4e: {  	v47 =	vsel vm4, $0x42D60000, v47;
	v48 =	vsel vm4, $0x42F60000, v48;
	v49 =	vsel vm4, $0x430B0000, v49  }
0x4f: {  	v50 =	vsel vm4, $0x431B0000, v50;
	v51 =	vsel vm4, $0x432B0000, v51;
	v52 =	vsel vm4, $0x433B0000, v52  }
0x50: {  	v53 =	vsel vm4, $0x434B0000, v53;
	v38 =	vsel vm3, $0x800000C4, v38;
	v40 =	vsel vm3, $0x41400000, v39  }
0x51: {  	s6 =	rddreg [dreg:$0x0];
	v39 =	vadd.s32 $0x800010B8, v1;
	v42 =	vsel vm3, $0x41E00000, v42;
	v43 =	vsel vm3, $0x42300000, v43  }
0x52: {  	s7 =	rddreg [dreg:$0x2];
	s3 =	simm.s32 $0x0;
	v44 =	vsel vm3, $0x42700000, v44;
	v45 =	vsel vm3, $0x42980000, v45;
	v46 =	vsel vm3, $0x42B80000, v46  }
0x53: {  	s13 =	simm.s32 $0x48;
	s14 =	simm.s32 $0x2080;
	s15 =	simm.s32 $0x7B00;
	v47 =	vsel vm3, $0x42D80000, v47;
	v48 =	vsel vm3, $0x42F80000, v48;
	v49 =	vsel vm3, $0x430C0000, v49  }
0x54: {  	s16 =	simm.s32 $0x80;
	s17 =	simm.s32 $0x1;
	s18 =	simm.s32 $0x16700;
	v50 =	vsel vm3, $0x431C0000, v50;
	v51 =	vsel vm3, $0x432C0000, v51;
	v52 =	vsel vm3, $0x433C0000, v52  }
0x55: {  	s19 =	simm.s32 $0x2;
	s20 =	simm.s32 $0x0;
	[smem:$0x7FF] =	sst s3;
	v53 =	vsel vm3, $0x434C0000, v53;
	v38 =	vsel vm2, $0x800000C5, v38;
	v41 =	vsel vm2, $0x41500000, v40  }
0x56: {  	s10 =	smul.u32 $0x190000, s0;
	s12 =	sshll.u32 s0, $0x6;
	s9 =	ssub.s32 $0x2, s4;
	v40 =	vadd.s32 $0xB8, v1;
	v42 =	vsel vm2, $0x41E80000, v42;
	v43 =	vsel vm2, $0x42340000, v43  }
0x57: {  	s11 =	smul.u32 $0xC8000, s4;
	s4 =	sshll.u32 s4, $0x5;
	s8 =	sshll.u32 s5, $0xA;
	v44 =	vsel vm2, $0x42740000, v44;
	v45 =	vsel vm2, $0x429A0000, v45;
	v46 =	vsel vm2, $0x42BA0000, v46  }
0x58: {  	s5 =	smul.u32 $0xC8000, s5;
	s29 =	sshrl.u32 s9, $0x1;
	s4 =	sor.u32 s4, s12;
	v47 =	vsel vm2, $0x42DA0000, v47;
	v48 =	vsel vm2, $0x42FA0000, v48;
	v49 =	vsel vm2, $0x430D0000, v49  }
0x59: {  	s12 =	simm.s32 $0x3B00;
	s6 =	sadd.s32 s8, s6;
	s8 =	ssub.s32 s9, s29;
	v50 =	vsel vm2, $0x431D0000, v50;
	v51 =	vsel vm2, $0x432D0000, v51;
	v52 =	vsel vm2, $0x433D0000, v52  }
0x5a: {  	s30 =	sadd.s32 s11, s10;
	s31 =	smul.u32 $0xC8, s4;
	s10 =	simm.s32 $0x3A00;
	v53 =	vsel vm2, $0x434D0000, v53;
	v38 =	vsel vm1, $0x800000C6, v38;
	v41 =	vsel vm1, $0x41600000, v41  }
0x5b: {  	s11 =	simm.s32 $0x2000;
	s1 =	rddreg [dreg:$0x1];
	_ =	strace $0x80000047;
	v42 =	vsel vm1, $0x41F00000, v42;
	v43 =	vsel vm1, $0x42380000, v43;
	v44 =	vsel vm1, $0x42780000, v44  }
0x5c: {  	s5 =	sshrl.u32 s5, $0x3;
	s4 =	sadd.s32 $0x600, s6;
	s9 =	sshrl.u32 s30, $0x3;
	v45 =	vsel vm1, $0x429C0000, v45;
	v46 =	vsel vm1, $0x42BC0000, v46;
	v47 =	vsel vm1, $0x42DC0000, v47  }
0x5d: {  	s6 =	smax.u32 s8, $0x1;
	s5 =	sadd.s32 s7, s5;
	s7 =	sadd.s32 s9, s7;
	v48 =	vsel vm1, $0x42FC0000, v48;
	v49 =	vsel vm1, $0x430E0000, v49;
	v50 =	vsel vm1, $0x431E0000, v50  }
0x5e: {  	s8 =	sor.u32 $0xC8, s31;
	s9 =	simm.s32 $0x3;
	s5 =	sadd.s32 $0x18380, s5;
	v51 =	vsel vm1, $0x432E0000, v51;
	v52 =	vsel vm1, $0x433E0000, v52;
	v53 =	vsel vm1, $0x434E0000, v53  }
.LBB2_1:
0x5f: {  	[tilespmem:s3], [sflag:$0x3] =	stream.linear.gather [hbm4b:s4+s3], $0x2000, $0x38;
	[tilespmem:$0x1CB00] =	vst v63  }
0x60: {  	_ =	swait.ge [sflag:s9], $0x2000  }
0x61: {  	[sflag:s9] =	ssyncset.done $0x0  }
0x62: {  	[sflag:s9] =	ssyncadd.s32 $0xFFFFE000  }
0x63: {  	v55 =	vld [tilespmem:$0x0];
	_ =	sdelay $0x4  }
0x64: {  	vm1 =	vgt.s32 v55, $0x0  }
0x65: {  	v55 =	vsel vm1, v4, v3  }
0x66: {  	(xrf1) =	vsort.ascd.msk.u32 $0xffff, v55, v1;
	_ =	sdelay $0xd  }
0x67: {  	[tilespmem:$0x3A00] =	vst v2;
	_, v55, _ =	vpop (xrf1)  }
0x68: {  	[tilespmem:v1+s10+$0x0] =	vst.idx.msk $0xffff, v55  }
0x69: {  	v55 =	vld [tilespmem:$0x10];
	_ =	sdelay $0x4  }
0x6a: {  	vm2 =	vgt.s32 v55, $0x0  }
0x6b: {  	v55 =	vsel vm2, v6, v5  }
0x6c: {  	(xrf1) =	vsort.ascd.msk.u32 $0xffff, v55, v7;
	_ =	sdelay $0x7  }
0x6d: {  	v62 =	vmpcnt.ones.xlane vm1;
	_ =	sdelay $0x1  }
0x6e: {  	v56 =	vadd.s32 v1, v62;
	_ =	sdelay $0x3  }
0x6f: {  	_, v57, _ =	vpop (xrf1)  }
0x70: {  	[tilespmem:v56+s10+$0x0] =	vst.idx.msk $0xffff, v57  }
0x71: {  	v56 =	vld [tilespmem:$0x20];
	_ =	sdelay $0x4  }
0x72: {  	vm1 =	vgt.s32 v56, $0x0  }
0x73: {  	v56 =	vsel vm1, v9, v8  }
0x74: {  	(xrf1) =	vsort.ascd.msk.u32 $0xffff, v56, v10;
	_ =	sdelay $0x6  }
0x75: {  	v63 =	vmpcnt.ones.xlane vm2;
	_ =	sdelay $0x1  }
0x76: {  	v55 =	vadd.s32 v62, v63  }
0x77: {  	v56 =	vadd.s32 v1, v55;
	_ =	sdelay $0x3  }
0x78: {  	_, v60, _ =	vpop (xrf1)  }
0x79: {  	[tilespmem:v56+s10+$0x0] =	vst.idx.msk $0xffff, v60  }
0x7a: {  	v56 =	vld [tilespmem:$0x30];
	_ =	sdelay $0x4  }
0x7b: {  	vm2 =	vgt.s32 v56, $0x0  }
0x7c: {  	v56 =	vsel vm2, v12, v11  }
0x7d: {  	(xrf1) =	vsort.ascd.msk.u32 $0xffff, v56, v13;
	_ =	sdelay $0x6  }
0x7e: {  	v61 =	vmpcnt.ones.xlane vm1;
	_ =	sdelay $0x1  }
0x7f: {  	v55 =	vadd.s32 v55, v61  }
0x80: {  	v56 =	vadd.s32 v1, v55;
	_ =	sdelay $0x3  }
0x81: {  	_, v62, _ =	vpop (xrf1)  }
0x82: {  	[tilespmem:v56+s10+$0x0] =	vst.idx.msk $0xffff, v62  }
0x83: {  	v56 =	vld [tilespmem:$0x40];
	_ =	sdelay $0x4  }
0x84: {  	vm1 =	vgt.s32 v56, $0x0  }
0x85: {  	v56 =	vsel vm1, v15, v14  }
0x86: {  	(xrf1) =	vsort.ascd.msk.u32 $0xffff, v56, v16;
	_ =	sdelay $0x6  }
0x87: {  	v63 =	vmpcnt.ones.xlane vm2;
	_ =	sdelay $0x1  }
0x88: {  	v55 =	vadd.s32 v55, v63  }
0x89: {  	v56 =	vadd.s32 v1, v55;
	_ =	sdelay $0x3  }
0x8a: {  	_, v60, _ =	vpop (xrf1)  }
0x8b: {  	[tilespmem:v56+s10+$0x0] =	vst.idx.msk $0xffff, v60  }
0x8c: {  	v56 =	vld [tilespmem:$0x50];
	_ =	sdelay $0x4  }
0x8d: {  	vm2 =	vgt.s32 v56, $0x0  }
0x8e: {  	v56 =	vsel vm2, v18, v17  }
0x8f: {  	(xrf1) =	vsort.ascd.msk.u32 $0xffff, v56, v19;
	_ =	sdelay $0x6  }
0x90: {  	v61 =	vmpcnt.ones.xlane vm1;
	_ =	sdelay $0x1  }
0x91: {  	v55 =	vadd.s32 v55, v61  }
0x92: {  	v56 =	vadd.s32 v1, v55;
	_ =	sdelay $0x3  }
0x93: {  	_, v62, _ =	vpop (xrf1)  }
0x94: {  	[tilespmem:v56+s10+$0x0] =	vst.idx.msk $0xffff, v62  }
0x95: {  	v56 =	vld [tilespmem:$0x60];
	_ =	sdelay $0x4  }
0x96: {  	vm1 =	vgt.s32 v56, $0x0  }
0x97: {  	v56 =	vsel vm1, v21, v20  }
0x98: {  	(xrf1) =	vsort.ascd.msk.u32 $0xffff, v56, v22;
	_ =	sdelay $0x6  }
0x99: {  	v63 =	vmpcnt.ones.xlane vm2;
	_ =	sdelay $0x1  }
0x9a: {  	v55 =	vadd.s32 v55, v63  }
0x9b: {  	v56 =	vadd.s32 v1, v55;
	_ =	sdelay $0x3  }
0x9c: {  	_, v60, _ =	vpop (xrf1)  }
0x9d: {  	[tilespmem:v56+s10+$0x0] =	vst.idx.msk $0xffff, v60  }
0x9e: {  	v56 =	vld [tilespmem:$0x70];
	_ =	sdelay $0x4  }
0x9f: {  	vm2 =	vgt.s32 v56, $0x0  }
0xa0: {  	v56 =	vsel vm2, v24, v23  }
0xa1: {  	(xrf1) =	vsort.ascd.msk.u32 $0xffff, v56, v25;
	_ =	sdelay $0x6  }
0xa2: {  	v61 =	vmpcnt.ones.xlane vm1;
	_ =	sdelay $0x1  }
0xa3: {  	v55 =	vadd.s32 v55, v61  }
0xa4: {  	v56 =	vadd.s32 v1, v55;
	_ =	sdelay $0x3  }
0xa5: {  	_, v62, _ =	vpop (xrf1)  }
0xa6: {  	[tilespmem:v56+s10+$0x0] =	vst.idx.msk $0xffff, v62  }
0xa7: {  	v56 =	vld [tilespmem:$0x400];
	_ =	sdelay $0x4  }
0xa8: {  	vm1 =	vgt.s32 v56, $0x0  }
0xa9: {  	v56 =	vsel vm1, v27, v26  }
0xaa: {  	(xrf1) =	vsort.ascd.msk.u32 $0xffff, v56, v28;
	_ =	sdelay $0x6  }
0xab: {  	v63 =	vmpcnt.ones.xlane vm2;
	_ =	sdelay $0x1  }
0xac: {  	v55 =	vadd.s32 v55, v63  }
0xad: {  	v56 =	vadd.s32 v1, v55;
	_ =	sdelay $0x3  }
0xae: {  	_, v60, _ =	vpop (xrf1)  }
0xaf: {  	[tilespmem:v56+s10+$0x0] =	vst.idx.msk $0xffff, v60  }
0xb0: {  	v56 =	vld [tilespmem:$0x410];
	_ =	sdelay $0x4  }
0xb1: {  	vm2 =	vgt.s32 v56, $0x0  }
0xb2: {  	v56 =	vsel vm2, v30, v29  }
0xb3: {  	(xrf1) =	vsort.ascd.msk.u32 $0xffff, v56, v31;
	_ =	sdelay $0x6  }
0xb4: {  	v61 =	vmpcnt.ones.xlane vm1;
	_ =	sdelay $0x1  }
0xb5: {  	v55 =	vadd.s32 v55, v61  }
0xb6: {  	v56 =	vadd.s32 v1, v55;
	_ =	sdelay $0x3  }
0xb7: {  	_, v62, _ =	vpop (xrf1)  }
0xb8: {  	[tilespmem:v56+s10+$0x0] =	vst.idx.msk $0xffff, v62  }
0xb9: {  	v56 =	vld [tilespmem:$0x420];
	_ =	sdelay $0x4  }
0xba: {  	vm1 =	vgt.s32 v56, $0x0  }
0xbb: {  	v56 =	vsel vm1, v33, v32  }
0xbc: {  	(xrf1) =	vsort.ascd.msk.u32 $0xffff, v56, v34;
	_ =	sdelay $0x6  }
0xbd: {  	v63 =	vmpcnt.ones.xlane vm2;
	_ =	sdelay $0x1  }
0xbe: {  	v55 =	vadd.s32 v55, v63  }
0xbf: {  	v56 =	vadd.s32 v1, v55;
	_ =	sdelay $0x3  }
0xc0: {  	_, v60, _ =	vpop (xrf1)  }
0xc1: {  	[tilespmem:v56+s10+$0x0] =	vst.idx.msk $0xffff, v60  }
0xc2: {  	v56 =	vld [tilespmem:$0x430];
	_ =	sdelay $0x4  }
0xc3: {  	vm2 =	vgt.s32 v56, $0x0  }
0xc4: {  	v56 =	vsel vm2, v36, v35  }
0xc5: {  	(xrf1) =	vsort.ascd.msk.u32 $0xffff, v56, v37;
	_ =	sdelay $0x6  }
0xc6: {  	v61 =	vmpcnt.ones.xlane vm1;
	_ =	sdelay $0x1  }
0xc7: {  	v55 =	vadd.s32 v55, v61  }
0xc8: {  	v56 =	vadd.s32 v1, v55;
	_ =	sdelay $0x3  }
0xc9: {  	_, v62, _ =	vpop (xrf1)  }
0xca: {  	[tilespmem:v56+s10+$0x0] =	vst.idx.msk $0xffff, v62  }
0xcb: {  	v56 =	vld [tilespmem:$0x438];
	_ =	sdelay $0x4  }
0xcc: {  	vm1 =	vgt.s32 v56, $0x0  }
0xcd: {  	v63 =	vmpcnt.ones.xlane vm2;
	vm2 =	vmand vm1, vm0  }
0xce: {  	v60 =	vmpcnt.ones.xlane vm2  }
0xcf: {  	v55 =	vadd.s32 v55, v63  }
0xd0: {  	v56 =	vadd.s32 v55, v60  }
0xd1: {  	vm2 =	vgt.s32 v56, $0x1  }
0xd2: {  	v56 =	vnsel vm2, $0x1, v56  }
0xd3: {  	v61 =	vcvt.s32.f32 v56;
	_ =	sdelay $0x1  }
0xd4: {  	(erf) = vrcp.f32 v61;
	_ =	sdelay $0x6  }
0xd5: {  	v62 =	vsel vm1, v38, v39  }
0xd6: {  	(xrf1) =	vsort.ascd.msk.u32 $0xffff, v62, v40  }
0xd7: {  	v57 =	vpop (erf)  }
0xd8: {  	v58 =	vmul.f32 v41, v57;
	_ =	sdelay $0x1  }
0xd9: {  	v58 =	vadd.f32 $2.441406250e-04, v58;
	_ =	sdelay $0x1  }
0xda: {  	v58 =	vtrunc.f32 v58  }
0xdb: {  	v58 =	vcvt.f32.s32 v58;
	_ =	sdelay $0x1  }
0xdc: {  	v59 =	vmul.f32 v42, v57;
	v58 =	vmul.u32 v58, v56  }
0xdd: {  	v55 =	vadd.s32 v1, v55  }
0xde: {  	v59 =	vadd.f32 $2.441406250e-04, v59;
	v58 =	vsub.s32 v1, v58;
	_ =	sdelay $0x1  }
0xdf: {  	v59 =	vtrunc.f32 v59  }
0xe0: {  	_, v60, _ =	vpop (xrf1);
	v59 =	vcvt.f32.s32 v59  }
0xe1: {  	[tilespmem:v55+s10+$0x0] =	vst.idx.msk $0xffff, v60  }
0xe2: {  	v60 =	vmul.f32 v43, v57;
	v63 =	vmul.u32 v59, v56;
	v55 =	vld.idx.msk [tilespmem:v58+s10+$0x0], $0xffff;
	_ =	sdelay $0x1  }
0xe3: {  	v59 =	vadd.f32 $2.441406250e-04, v60;
	v58 =	vsub.s32 v7, v63;
	_ =	sdelay $0x1  }
0xe4: {  	v59 =	vtrunc.f32 v59  }
0xe5: {  	v59 =	vcvt.f32.s32 v59;
	v55 =	vadd.s32 v0, v55  }
0xe6: {  	[tilespmem:$0x2000] =	vst v55  }
0xe7: {  	v62 =	vmul.f32 v44, v57;
	v61 =	vmul.u32 v59, v56;
	v55 =	vld.idx.msk [tilespmem:v58+s10+$0x0], $0xffff;
	_ =	sdelay $0x1  }
0xe8: {  	v59 =	vadd.f32 $2.441406250e-04, v62;
	v58 =	vsub.s32 v10, v61;
	_ =	sdelay $0x1  }
0xe9: {  	v59 =	vtrunc.f32 v59  }
0xea: {  	v59 =	vcvt.f32.s32 v59;
	v55 =	vadd.s32 v0, v55  }
0xeb: {  	[tilespmem:$0x2010] =	vst v55  }
0xec: {  	v60 =	vmul.f32 v45, v57;
	v63 =	vmul.u32 v59, v56;
	v55 =	vld.idx.msk [tilespmem:v58+s10+$0x0], $0xffff;
	_ =	sdelay $0x1  }
0xed: {  	v59 =	vadd.f32 $2.441406250e-04, v60;
	v58 =	vsub.s32 v13, v63;
	_ =	sdelay $0x1  }
0xee: {  	v59 =	vtrunc.f32 v59  }
0xef: {  	v59 =	vcvt.f32.s32 v59;
	v55 =	vadd.s32 v0, v55  }
0xf0: {  	[tilespmem:$0x2020] =	vst v55  }
0xf1: {  	v62 =	vmul.f32 v46, v57;
	v61 =	vmul.u32 v59, v56;
	v55 =	vld.idx.msk [tilespmem:v58+s10+$0x0], $0xffff;
	_ =	sdelay $0x1  }
0xf2: {  	v59 =	vadd.f32 $2.441406250e-04, v62;
	v58 =	vsub.s32 v16, v61;
	_ =	sdelay $0x1  }
0xf3: {  	v59 =	vtrunc.f32 v59  }
0xf4: {  	v59 =	vcvt.f32.s32 v59;
	v55 =	vadd.s32 v0, v55  }
0xf5: {  	[tilespmem:$0x2030] =	vst v55  }
0xf6: {  	v60 =	vmul.f32 v47, v57;
	v63 =	vmul.u32 v59, v56;
	v55 =	vld.idx.msk [tilespmem:v58+s10+$0x0], $0xffff;
	_ =	sdelay $0x1  }
0xf7: {  	v59 =	vadd.f32 $2.441406250e-04, v60;
	v58 =	vsub.s32 v19, v63;
	_ =	sdelay $0x1  }
0xf8: {  	v59 =	vtrunc.f32 v59  }
0xf9: {  	v59 =	vcvt.f32.s32 v59;
	v55 =	vadd.s32 v0, v55  }
0xfa: {  	[tilespmem:$0x2040] =	vst v55  }
0xfb: {  	v62 =	vmul.f32 v48, v57;
	v61 =	vmul.u32 v59, v56;
	v55 =	vld.idx.msk [tilespmem:v58+s10+$0x0], $0xffff;
	_ =	sdelay $0x1  }
0xfc: {  	v59 =	vadd.f32 $2.441406250e-04, v62;
	v58 =	vsub.s32 v22, v61;
	_ =	sdelay $0x1  }
0xfd: {  	v59 =	vtrunc.f32 v59  }
0xfe: {  	v59 =	vcvt.f32.s32 v59;
	v55 =	vadd.s32 v0, v55  }
0xff: {  	[tilespmem:$0x2050] =	vst v55  }
0x100: {  	v60 =	vmul.f32 v49, v57;
	v63 =	vmul.u32 v59, v56;
	v55 =	vld.idx.msk [tilespmem:v58+s10+$0x0], $0xffff;
	_ =	sdelay $0x1  }
0x101: {  	v59 =	vadd.f32 $2.441406250e-04, v60;
	v58 =	vsub.s32 v25, v63;
	_ =	sdelay $0x1  }
0x102: {  	v59 =	vtrunc.f32 v59  }
0x103: {  	v59 =	vcvt.f32.s32 v59;
	v55 =	vadd.s32 v0, v55  }
0x104: {  	[tilespmem:$0x2060] =	vst v55  }
0x105: {  	v62 =	vmul.f32 v50, v57;
	v61 =	vmul.u32 v59, v56;
	v55 =	vld.idx.msk [tilespmem:v58+s10+$0x0], $0xffff;
	_ =	sdelay $0x1  }
0x106: {  	v59 =	vadd.f32 $2.441406250e-04, v62;
	v58 =	vsub.s32 v28, v61;
	_ =	sdelay $0x1  }
0x107: {  	v59 =	vtrunc.f32 v59  }
0x108: {  	v59 =	vcvt.f32.s32 v59;
	v55 =	vadd.s32 v0, v55  }
0x109: {  	[tilespmem:$0x2070] =	vst v55  }
0x10a: {  	v60 =	vmul.f32 v51, v57;
	v63 =	vmul.u32 v59, v56;
	v55 =	vld.idx.msk [tilespmem:v58+s10+$0x0], $0xffff;
	_ =	sdelay $0x1  }
0x10b: {  	v59 =	vadd.f32 $2.441406250e-04, v60;
	v58 =	vsub.s32 v31, v63;
	_ =	sdelay $0x1  }
0x10c: {  	v59 =	vtrunc.f32 v59  }
0x10d: {  	v59 =	vcvt.f32.s32 v59;
	v55 =	vadd.s32 v0, v55  }
0x10e: {  	[tilespmem:$0x2080] =	vst v55  }
0x10f: {  	v62 =	vmul.f32 v52, v57;
	v61 =	vmul.u32 v59, v56;
	v55 =	vld.idx.msk [tilespmem:v58+s10+$0x0], $0xffff;
	_ =	sdelay $0x1  }
0x110: {  	v59 =	vadd.f32 $2.441406250e-04, v62;
	v58 =	vsub.s32 v34, v61;
	_ =	sdelay $0x1  }
0x111: {  	v59 =	vtrunc.f32 v59  }
0x112: {  	v59 =	vcvt.f32.s32 v59;
	v55 =	vadd.s32 v0, v55  }
0x113: {  	[tilespmem:$0x2090] =	vst v55  }
0x114: {  	v57 =	vmul.f32 v53, v57;
	v63 =	vmul.u32 v59, v56;
	v55 =	vld.idx.msk [tilespmem:v58+s10+$0x0], $0xffff;
	_ =	sdelay $0x1  }
0x115: {  	v57 =	vadd.f32 $2.441406250e-04, v57;
	v58 =	vsub.s32 v37, v63;
	_ =	sdelay $0x1  }
0x116: {  	v57 =	vtrunc.f32 v57  }
0x117: {  	v57 =	vcvt.f32.s32 v57;
	v55 =	vadd.s32 v0, v55  }
0x118: {  	[tilespmem:$0x20A0] =	vst v55  }
0x119: {  	v56 =	vmul.u32 v57, v56;
	v55 =	vld.idx.msk [tilespmem:v58+s10+$0x0], $0xffff;
	_ =	sdelay $0x1  }
0x11a: {  	v56 =	vsub.s32 v54, v56;
	_ =	sdelay $0x2  }
0x11b: {  	v55 =	vadd.s32 v0, v55  }
0x11c: {  	[tilespmem:$0x20B0] =	vst v55  }
0x11d: {  	v55 =	vld.idx.msk [tilespmem:v56+s10+$0x0], $0xffff;
	_ =	sdelay $0x4  }
0x11e: {  	s21 =	simm.s32 $0x150;
	v55 =	vadd.s32 v0, v55  }
0x11f: {  	s22 =	simm.s32 $0x100;
	s23 =	simm.s32 $0x80;
	s24 =	smov.u32 s8;
	[tilespmem:$0x20C0] =	vst v55  }
0x120: {  	[tilespmem:s12], [sflag:$0x1] =	stream.indirect.gather [hbm4b:s1+s16], $0x80, s11, s16, $0xb8;
	[tilespmem:$0x1CB00] =	vst v63  }
0x121: {  	s25 =	smov.u32 s7;
	s28 =	simm.s32 $0x0;
	s26 =	simm.s32 $0x0  }
0x122: {  	[tilespmem:s15], [sflag:$0x1] =	stream.indirect.gather [hbm4b:s1+s13], $0x80, s14, s13, $0xb8;
	[tilespmem:$0x1CB00] =	vst v63  }
.LBB2_2:
0x123: {  	s29 =	sand.u32 $0x1800, s22;
	s30 =	sand.u32 $0x380, s23  }
0x124: {  	[tilespmem:$0x3A00] =	vst v2;
	s29 =	sor.u32 s30, s29  }
0x125: {  	v55 =	vld [tilespmem:s29+$0x0];
	_ =	sdelay $0x4  }
0x126: {  	vm1 =	vgt.s32 v55, $0x0  }
0x127: {  	v55 =	vsel vm1, v4, v3  }
0x128: {  	(xrf1) =	vsort.ascd.msk.u32 $0xffff, v55, v1;
	_ =	sdelay $0xd  }
0x129: {  	_, v55, _ =	vpop (xrf1)  }
0x12a: {  	[tilespmem:v1+s10+$0x0] =	vst.idx.msk $0xffff, v55  }
0x12b: {  	v55 =	vld [tilespmem:s29+$0x10];
	_ =	sdelay $0x4  }
0x12c: {  	vm2 =	vgt.s32 v55, $0x0  }
0x12d: {  	v55 =	vsel vm2, v6, v5  }
0x12e: {  	(xrf1) =	vsort.ascd.msk.u32 $0xffff, v55, v7;
	_ =	sdelay $0x7  }
0x12f: {  	v62 =	vmpcnt.ones.xlane vm1;
	_ =	sdelay $0x1  }
0x130: {  	v56 =	vadd.s32 v1, v62;
	_ =	sdelay $0x3  }
0x131: {  	_, v57, _ =	vpop (xrf1)  }
0x132: {  	[tilespmem:v56+s10+$0x0] =	vst.idx.msk $0xffff, v57  }
0x133: {  	v56 =	vld [tilespmem:s29+$0x20];
	_ =	sdelay $0x4  }
0x134: {  	vm1 =	vgt.s32 v56, $0x0  }
0x135: {  	v56 =	vsel vm1, v9, v8  }
0x136: {  	(xrf1) =	vsort.ascd.msk.u32 $0xffff, v56, v10;
	_ =	sdelay $0x6  }
0x137: {  	v63 =	vmpcnt.ones.xlane vm2;
	_ =	sdelay $0x1  }
0x138: {  	v55 =	vadd.s32 v62, v63  }
0x139: {  	v56 =	vadd.s32 v1, v55;
	_ =	sdelay $0x3  }
0x13a: {  	_, v60, _ =	vpop (xrf1)  }
0x13b: {  	[tilespmem:v56+s10+$0x0] =	vst.idx.msk $0xffff, v60  }
0x13c: {  	v56 =	vld [tilespmem:s29+$0x30];
	_ =	sdelay $0x4  }
0x13d: {  	vm2 =	vgt.s32 v56, $0x0  }
0x13e: {  	v56 =	vsel vm2, v12, v11  }
0x13f: {  	(xrf1) =	vsort.ascd.msk.u32 $0xffff, v56, v13;
	_ =	sdelay $0x6  }
0x140: {  	v61 =	vmpcnt.ones.xlane vm1;
	_ =	sdelay $0x1  }
0x141: {  	v55 =	vadd.s32 v55, v61  }
0x142: {  	v56 =	vadd.s32 v1, v55;
	_ =	sdelay $0x3  }
0x143: {  	_, v62, _ =	vpop (xrf1)  }
0x144: {  	[tilespmem:v56+s10+$0x0] =	vst.idx.msk $0xffff, v62  }
0x145: {  	v56 =	vld [tilespmem:s29+$0x40];
	_ =	sdelay $0x4  }
0x146: {  	vm1 =	vgt.s32 v56, $0x0  }
0x147: {  	v56 =	vsel vm1, v15, v14  }
0x148: {  	(xrf1) =	vsort.ascd.msk.u32 $0xffff, v56, v16;
	_ =	sdelay $0x6  }
0x149: {  	v63 =	vmpcnt.ones.xlane vm2;
	_ =	sdelay $0x1  }
0x14a: {  	v55 =	vadd.s32 v55, v63  }
0x14b: {  	v56 =	vadd.s32 v1, v55;
	_ =	sdelay $0x3  }
0x14c: {  	_, v60, _ =	vpop (xrf1)  }
0x14d: {  	[tilespmem:v56+s10+$0x0] =	vst.idx.msk $0xffff, v60  }
0x14e: {  	v56 =	vld [tilespmem:s29+$0x50];
	_ =	sdelay $0x4  }
0x14f: {  	vm2 =	vgt.s32 v56, $0x0  }
0x150: {  	v56 =	vsel vm2, v18, v17  }
0x151: {  	(xrf1) =	vsort.ascd.msk.u32 $0xffff, v56, v19;
	_ =	sdelay $0x6  }
0x152: {  	v61 =	vmpcnt.ones.xlane vm1;
	_ =	sdelay $0x1  }
0x153: {  	v55 =	vadd.s32 v55, v61  }
0x154: {  	v56 =	vadd.s32 v1, v55;
	_ =	sdelay $0x3  }
0x155: {  	_, v62, _ =	vpop (xrf1)  }
0x156: {  	[tilespmem:v56+s10+$0x0] =	vst.idx.msk $0xffff, v62  }
0x157: {  	v56 =	vld [tilespmem:s29+$0x60];
	_ =	sdelay $0x4  }
0x158: {  	vm1 =	vgt.s32 v56, $0x0  }
0x159: {  	v56 =	vsel vm1, v21, v20  }
0x15a: {  	(xrf1) =	vsort.ascd.msk.u32 $0xffff, v56, v22;
	_ =	sdelay $0x6  }
0x15b: {  	v63 =	vmpcnt.ones.xlane vm2;
	_ =	sdelay $0x1  }
0x15c: {  	v55 =	vadd.s32 v55, v63  }
0x15d: {  	v56 =	vadd.s32 v1, v55;
	_ =	sdelay $0x3  }
0x15e: {  	_, v60, _ =	vpop (xrf1)  }
0x15f: {  	[tilespmem:v56+s10+$0x0] =	vst.idx.msk $0xffff, v60  }
0x160: {  	v56 =	vld [tilespmem:s29+$0x70];
	_ =	sdelay $0x4  }
0x161: {  	vm2 =	vgt.s32 v56, $0x0  }
0x162: {  	v56 =	vsel vm2, v24, v23  }
0x163: {  	(xrf1) =	vsort.ascd.msk.u32 $0xffff, v56, v25;
	_ =	sdelay $0x6  }
0x164: {  	v61 =	vmpcnt.ones.xlane vm1;
	_ =	sdelay $0x1  }
0x165: {  	v55 =	vadd.s32 v55, v61  }
0x166: {  	v56 =	vadd.s32 v1, v55;
	_ =	sdelay $0x3  }
0x167: {  	_, v62, _ =	vpop (xrf1)  }
0x168: {  	[tilespmem:v56+s10+$0x0] =	vst.idx.msk $0xffff, v62  }
0x169: {  	v56 =	vld [tilespmem:s29+$0x400];
	_ =	sdelay $0x4  }
0x16a: {  	vm1 =	vgt.s32 v56, $0x0  }
0x16b: {  	v56 =	vsel vm1, v27, v26  }
0x16c: {  	(xrf1) =	vsort.ascd.msk.u32 $0xffff, v56, v28;
	_ =	sdelay $0x6  }
0x16d: {  	v63 =	vmpcnt.ones.xlane vm2;
	_ =	sdelay $0x1  }
0x16e: {  	v55 =	vadd.s32 v55, v63  }
0x16f: {  	v56 =	vadd.s32 v1, v55;
	_ =	sdelay $0x3  }
0x170: {  	_, v60, _ =	vpop (xrf1)  }
0x171: {  	[tilespmem:v56+s10+$0x0] =	vst.idx.msk $0xffff, v60  }
0x172: {  	v56 =	vld [tilespmem:s29+$0x410];
	_ =	sdelay $0x4  }
0x173: {  	vm2 =	vgt.s32 v56, $0x0  }
0x174: {  	v56 =	vsel vm2, v30, v29  }
0x175: {  	(xrf1) =	vsort.ascd.msk.u32 $0xffff, v56, v31;
	_ =	sdelay $0x6  }
0x176: {  	v61 =	vmpcnt.ones.xlane vm1;
	_ =	sdelay $0x1  }
0x177: {  	v55 =	vadd.s32 v55, v61  }
0x178: {  	v56 =	vadd.s32 v1, v55;
	_ =	sdelay $0x3  }
0x179: {  	_, v62, _ =	vpop (xrf1)  }
0x17a: {  	[tilespmem:v56+s10+$0x0] =	vst.idx.msk $0xffff, v62  }
0x17b: {  	v56 =	vld [tilespmem:s29+$0x420];
	_ =	sdelay $0x4  }
0x17c: {  	vm1 =	vgt.s32 v56, $0x0  }
0x17d: {  	v56 =	vsel vm1, v33, v32  }
0x17e: {  	(xrf1) =	vsort.ascd.msk.u32 $0xffff, v56, v34;
	_ =	sdelay $0x6  }
0x17f: {  	v63 =	vmpcnt.ones.xlane vm2;
	_ =	sdelay $0x1  }
0x180: {  	v55 =	vadd.s32 v55, v63  }
0x181: {  	v56 =	vadd.s32 v1, v55;
	_ =	sdelay $0x3  }
0x182: {  	_, v60, _ =	vpop (xrf1)  }
0x183: {  	[tilespmem:v56+s10+$0x0] =	vst.idx.msk $0xffff, v60  }
0x184: {  	v56 =	vld [tilespmem:s29+$0x430];
	_ =	sdelay $0x4  }
0x185: {  	vm2 =	vgt.s32 v56, $0x0  }
0x186: {  	v56 =	vsel vm2, v36, v35  }
0x187: {  	(xrf1) =	vsort.ascd.msk.u32 $0xffff, v56, v37;
	_ =	sdelay $0x6  }
0x188: {  	v61 =	vmpcnt.ones.xlane vm1;
	_ =	sdelay $0x1  }
0x189: {  	v55 =	vadd.s32 v55, v61  }
0x18a: {  	v56 =	vadd.s32 v1, v55;
	_ =	sdelay $0x3  }
0x18b: {  	_, v62, _ =	vpop (xrf1)  }
0x18c: {  	[tilespmem:v56+s10+$0x0] =	vst.idx.msk $0xffff, v62  }
0x18d: {  	v56 =	vld [tilespmem:s29+$0x438];
	_ =	sdelay $0x4  }
0x18e: {  	vm1 =	vgt.s32 v56, $0x0  }
0x18f: {  	v63 =	vmpcnt.ones.xlane vm2;
	vm2 =	vmand vm1, vm0  }
0x190: {  	v60 =	vmpcnt.ones.xlane vm2  }
0x191: {  	v55 =	vadd.s32 v55, v63  }
0x192: {  	v56 =	vadd.s32 v55, v60  }
0x193: {  	vm2 =	vgt.s32 v56, $0x1  }
0x194: {  	v56 =	vnsel vm2, $0x1, v56  }
0x195: {  	v61 =	vcvt.s32.f32 v56;
	_ =	sdelay $0x1  }
0x196: {  	(erf) = vrcp.f32 v61;
	_ =	sdelay $0x6  }
0x197: {  	v62 =	vsel vm1, v38, v39  }
0x198: {  	(xrf1) =	vsort.ascd.msk.u32 $0xffff, v62, v40  }
0x199: {  	v57 =	vpop (erf)  }
0x19a: {  	v58 =	vmul.f32 v41, v57;
	_ =	sdelay $0x1  }
0x19b: {  	v58 =	vadd.f32 $2.441406250e-04, v58;
	_ =	sdelay $0x1  }
0x19c: {  	v58 =	vtrunc.f32 v58  }
0x19d: {  	v58 =	vcvt.f32.s32 v58;
	_ =	sdelay $0x1  }
0x19e: {  	v59 =	vmul.f32 v42, v57;
	v58 =	vmul.u32 v58, v56  }
0x19f: {  	v55 =	vadd.s32 v1, v55  }
0x1a0: {  	v59 =	vadd.f32 $2.441406250e-04, v59;
	v58 =	vsub.s32 v1, v58;
	_ =	sdelay $0x1  }
0x1a1: {  	v59 =	vtrunc.f32 v59  }
0x1a2: {  	_, v60, _ =	vpop (xrf1);
	v59 =	vcvt.f32.s32 v59  }
0x1a3: {  	[tilespmem:v55+s10+$0x0] =	vst.idx.msk $0xffff, v60  }
0x1a4: {  	v60 =	vmul.f32 v43, v57;
	v63 =	vmul.u32 v59, v56;
	v55 =	vld.idx.msk [tilespmem:v58+s10+$0x0], $0xffff;
	_ =	sdelay $0x1  }
0x1a5: {  	v59 =	vadd.f32 $2.441406250e-04, v60;
	v58 =	vsub.s32 v7, v63;
	_ =	sdelay $0x1  }
0x1a6: {  	v59 =	vtrunc.f32 v59  }
0x1a7: {  	s29 =	sshra.s32 s26, $0x2;
	v59 =	vcvt.f32.s32 v59;
	v55 =	vadd.s32 s24, v55  }
0x1a8: {  	[tilespmem:s29+$0x20D0] =	vst v55  }
0x1a9: {  	v62 =	vmul.f32 v44, v57;
	v61 =	vmul.u32 v59, v56;
	v55 =	vld.idx.msk [tilespmem:v58+s10+$0x0], $0xffff;
	_ =	sdelay $0x1  }
0x1aa: {  	v59 =	vadd.f32 $2.441406250e-04, v62;
	v58 =	vsub.s32 v10, v61;
	_ =	sdelay $0x1  }
0x1ab: {  	v59 =	vtrunc.f32 v59  }
0x1ac: {  	v59 =	vcvt.f32.s32 v59;
	v55 =	vadd.s32 s24, v55  }
0x1ad: {  	[tilespmem:s29+$0x20E0] =	vst v55  }
0x1ae: {  	v60 =	vmul.f32 v45, v57;
	v63 =	vmul.u32 v59, v56;
	v55 =	vld.idx.msk [tilespmem:v58+s10+$0x0], $0xffff;
	_ =	sdelay $0x1  }
0x1af: {  	v59 =	vadd.f32 $2.441406250e-04, v60;
	v58 =	vsub.s32 v13, v63;
	_ =	sdelay $0x1  }
0x1b0: {  	v59 =	vtrunc.f32 v59  }
0x1b1: {  	v59 =	vcvt.f32.s32 v59;
	v55 =	vadd.s32 s24, v55  }
0x1b2: {  	[tilespmem:s29+$0x20F0] =	vst v55  }
0x1b3: {  	v62 =	vmul.f32 v46, v57;
	v61 =	vmul.u32 v59, v56;
	v55 =	vld.idx.msk [tilespmem:v58+s10+$0x0], $0xffff;
	_ =	sdelay $0x1  }
0x1b4: {  	v59 =	vadd.f32 $2.441406250e-04, v62;
	v58 =	vsub.s32 v16, v61;
	_ =	sdelay $0x1  }
0x1b5: {  	v59 =	vtrunc.f32 v59  }
0x1b6: {  	v59 =	vcvt.f32.s32 v59;
	v55 =	vadd.s32 s24, v55  }
0x1b7: {  	[tilespmem:s29+$0x2100] =	vst v55  }
0x1b8: {  	v60 =	vmul.f32 v47, v57;
	v63 =	vmul.u32 v59, v56;
	v55 =	vld.idx.msk [tilespmem:v58+s10+$0x0], $0xffff;
	_ =	sdelay $0x1  }
0x1b9: {  	v59 =	vadd.f32 $2.441406250e-04, v60;
	v58 =	vsub.s32 v19, v63;
	_ =	sdelay $0x1  }
0x1ba: {  	v59 =	vtrunc.f32 v59  }
0x1bb: {  	v59 =	vcvt.f32.s32 v59;
	v55 =	vadd.s32 s24, v55  }
0x1bc: {  	[tilespmem:s29+$0x2110] =	vst v55  }
0x1bd: {  	v62 =	vmul.f32 v48, v57;
	v61 =	vmul.u32 v59, v56;
	v55 =	vld.idx.msk [tilespmem:v58+s10+$0x0], $0xffff;
	_ =	sdelay $0x1  }
0x1be: {  	v59 =	vadd.f32 $2.441406250e-04, v62;
	v58 =	vsub.s32 v22, v61;
	_ =	sdelay $0x1  }
0x1bf: {  	v59 =	vtrunc.f32 v59  }
0x1c0: {  	v59 =	vcvt.f32.s32 v59;
	v55 =	vadd.s32 s24, v55  }
0x1c1: {  	[tilespmem:s29+$0x2120] =	vst v55  }
0x1c2: {  	v60 =	vmul.f32 v49, v57;
	v63 =	vmul.u32 v59, v56;
	v55 =	vld.idx.msk [tilespmem:v58+s10+$0x0], $0xffff;
	_ =	sdelay $0x1  }
0x1c3: {  	v59 =	vadd.f32 $2.441406250e-04, v60;
	v58 =	vsub.s32 v25, v63;
	_ =	sdelay $0x1  }
0x1c4: {  	v59 =	vtrunc.f32 v59  }
0x1c5: {  	v59 =	vcvt.f32.s32 v59;
	v55 =	vadd.s32 s24, v55  }
0x1c6: {  	[tilespmem:s29+$0x2130] =	vst v55  }
0x1c7: {  	v62 =	vmul.f32 v50, v57;
	v61 =	vmul.u32 v59, v56;
	v55 =	vld.idx.msk [tilespmem:v58+s10+$0x0], $0xffff;
	_ =	sdelay $0x1  }
0x1c8: {  	v59 =	vadd.f32 $2.441406250e-04, v62;
	v58 =	vsub.s32 v28, v61;
	_ =	sdelay $0x1  }
0x1c9: {  	v59 =	vtrunc.f32 v59  }
0x1ca: {  	v59 =	vcvt.f32.s32 v59;
	v55 =	vadd.s32 s24, v55  }
0x1cb: {  	[tilespmem:s29+$0x2140] =	vst v55  }
0x1cc: {  	v60 =	vmul.f32 v51, v57;
	v63 =	vmul.u32 v59, v56;
	v55 =	vld.idx.msk [tilespmem:v58+s10+$0x0], $0xffff;
	_ =	sdelay $0x1  }
0x1cd: {  	v59 =	vadd.f32 $2.441406250e-04, v60;
	v58 =	vsub.s32 v31, v63  }
0x1ce: {  	s2 =	sadd.s32 $0xFFFFFF80, s21  }
0x1cf: {  	s31 =	sand.u32 $0x3F80, s21;
	s30 =	sand.u32 $0x70, s2;
	v59 =	vtrunc.f32 v59  }
0x1d0: {  	s30 =	sor.u32 s30, s31;
	v59 =	vcvt.f32.s32 v59;
	v55 =	vadd.s32 s24, v55  }
0x1d1: {  	[tilespmem:s30+$0x2000] =	vst v55  }
0x1d2: {  	v62 =	vmul.f32 v52, v57;
	v61 =	vmul.u32 v59, v56;
	v55 =	vld.idx.msk [tilespmem:v58+s10+$0x0], $0xffff;
	_ =	sdelay $0x1  }
0x1d3: {  	v59 =	vadd.f32 $2.441406250e-04, v62;
	v58 =	vsub.s32 v34, v61;
	_ =	sdelay $0x1  }
0x1d4: {  	v59 =	vtrunc.f32 v59  }
0x1d5: {  	v59 =	vcvt.f32.s32 v59;
	v55 =	vadd.s32 s24, v55  }
0x1d6: {  	[tilespmem:s29+$0x2160] =	vst v55  }
0x1d7: {  	v57 =	vmul.f32 v53, v57;
	v63 =	vmul.u32 v59, v56;
	v55 =	vld.idx.msk [tilespmem:v58+s10+$0x0], $0xffff;
	_ =	sdelay $0x1  }
0x1d8: {  	v57 =	vadd.f32 $2.441406250e-04, v57;
	v58 =	vsub.s32 v37, v63;
	_ =	sdelay $0x1  }
0x1d9: {  	v57 =	vtrunc.f32 v57  }
0x1da: {  	v57 =	vcvt.f32.s32 v57;
	v55 =	vadd.s32 s24, v55  }
0x1db: {  	[tilespmem:s29+$0x2170] =	vst v55  }
0x1dc: {  	v56 =	vmul.u32 v57, v56;
	v55 =	vld.idx.msk [tilespmem:v58+s10+$0x0], $0xffff;
	_ =	sdelay $0x1  }
0x1dd: {  	v56 =	vsub.s32 v54, v56;
	_ =	sdelay $0x2  }
0x1de: {  	v55 =	vadd.s32 s24, v55  }
0x1df: {  	[tilespmem:s29+$0x2180] =	vst v55  }
0x1e0: {  	v55 =	vld.idx.msk [tilespmem:v56+s10+$0x0], $0xffff;
	_ =	sdelay $0x3  }
0x1e1: {  	s30 =	sadd.s32 $0x1, s28  }
0x1e2: {  	s0 =	sand.u32 $0x3, s30;
	p0 =	slt.u32 s30, $0x4;
	v55 =	vadd.s32 s24, v55  }
0x1e3: {  	s2 =	simm.s32 @!p0 $0x2;
	s31 =	smul.u32 $0x19000, s0;
	[tilespmem:s29+$0x2190] =	vst v55  }
0x1e4: {  	_ =	swait.ge @!p0 [sflag:s2], $0x6400  }
0x1e5: {  	s31 =	sshrl.u32 s31, $0x2;
	[sflag:s2] =	ssyncset.done @!p0 $0x0  }
0x1e6: {  	s0 =	sadd.s32 $0x20D0, s29;
	[sflag:s2] =	ssyncadd.s32 @!p0 $0xFFFF9C00;
	s2 =	sadd.s32 $0x3B00, s31  }
0x1e7: {  	[tilespmem:s2], [sflag:$0x1] =	stream.indirect.gather [hbm4b:s1+s16], $0x80, s0, s16, $0xb8;
	[tilespmem:$0x1CB00] =	vst v63  }
0x1e8: {  	s2 =	sadd.s32 $0x7B00, s31;
	s31 =	sshll.u32 s28, $0x18  }
0x1e9: {  	s29 =	sadd.s32 $0x2150, s29;
	s0 =	sshra.s32 s31, $0x1F  }
0x1ea: {  	[tilespmem:s2], [sflag:$0x1] =	stream.indirect.gather [hbm4b:s1+s13], $0x80, s29, s13, $0xb8;
	[tilespmem:$0x1CB00] =	vst v63  }
0x1eb: {  	s0 =	sand.u32 $0x3, s0  }
0x1ec: {  	s0 =	sadd.s32 s0, s28  }
0x1ed: {  	s0 =	sand.u32 $0xFC, s0  }
0x1ee: {  	s0 =	ssub.s32 s28, s0  }
0x1ef: {  	_ =	swait.ge [sflag:s17], $0x4000;
	s0 =	sshll.u32 s0, $0x18  }
0x1f0: {  	s26 =	sadd.s32 $0x340, s26;
	[sflag:s17] =	ssyncset.done $0x0;
	s0 =	sshra.s32 s0, $0x18  }
0x1f1: {  	p0 =	sne.s32 s26, $0x64C0;
	[sflag:s17] =	ssyncadd.s32 $0xFFFFC000;
	s0 =	smul.u32 $0x19000, s0  }
.Ltmp0:
0x1f2: {  	s21 =	sadd.s32 $0xD0, s21;
	_ =	swait.ge [sflag:s17], $0x2400;
	(pc) =	sbr.rel @p0 .LBB2_2-.Ltmp0, $4  }
0x1f3: {  	s22 =	sadd.s32 $0x100, s22;
	[sflag:s17] =	ssyncset.done $0x0;
	s0 =	sshra.s32 s0, $0x2  }
0x1f4: {  	s23 =	sadd.s32 $0x80, s23;
	[sflag:s17] =	ssyncadd.s32 $0xFFFFDC00;
	s0 =	sadd.s32 $0x3B00, s0  }
0x1f5: {  	[hbm4b:s25+s3] =	stream.linear.scatter [tilespmem:s0], [sflag:$0x2], $0x6400, $0x38;
	[tilespmem:$0x1CB00] =	vst v63  }
0x1f6: {  	s24 =	sadd.s32 $0xC8, s24;
	s28 =	smov.u32 s30;
	s25 =	sadd.s32 $0xC80, s25  }
0x1f7: {  	_ =	swait.ge [sflag:s17], $0x4000  }
0x1f8: {  	[sflag:s17] =	ssyncset.done $0x0  }
0x1f9: {  	[sflag:s17] =	ssyncadd.s32 $0xFFFFC000  }
0x1fa: {  	_ =	swait.ge [sflag:s17], $0x2400  }
0x1fb: {  	[sflag:s17] =	ssyncset.done $0x0  }
0x1fc: {  	[sflag:s17] =	ssyncadd.s32 $0xFFFFDC00  }
0x1fd: {  	[hbm4b:s5+s3] =	stream.linear.scatter [tilespmem:s18], [sflag:$0x2], $0x6400, $0x38;
	[tilespmem:$0x1CB00] =	vst v63  }
0x1fe: {  	_ =	swait.ge [sflag:s19], $0x6400  }
0x1ff: {  	[sflag:s19] =	ssyncset.done $0x0  }
0x200: {  	[sflag:s19] =	ssyncadd.s32 $0xFFFF9C00  }
0x201: {  	_ =	swait.ge [sflag:s19], $0x6400  }
0x202: {  	[sflag:s19] =	ssyncset.done $0x0  }
0x203: {  	s20 =	sadd.s32 $0x1, s20;
	[sflag:s19] =	ssyncadd.s32 $0xFFFF9C00  }
0x204: {  	p0 =	sne.s32 s20, s6;
	_ =	swait.ge [sflag:s19], $0x6400  }
.Ltmp1:
0x205: {  	[sflag:s19] =	ssyncset.done $0x0;
	(pc) =	sbr.rel @p0 .LBB2_1-.Ltmp1, $4  }
0x206: {  	[sflag:s19] =	ssyncadd.s32 $0xFFFF9C00  }
0x207: {  	_ =	swait.ge [sflag:s19], $0x6400  }
0x208: {  	[sflag:s19] =	ssyncset.done $0x0  }
0x209: {  	[sflag:s19] =	ssyncadd.s32 $0xFFFF9C00  }
0x20a: {  	_ =	sfence.sel $0x180000  }
0x20b: {  	[bflag:$0x0] =	sbarrier.arrive $0xFFFF  }
0x20c: {  	_ =	strace $0x90000047  }
0x20d: {  	s0 =	stileid.u32;
	[bflag:$0x2] =	sbarrier.arrive $0xFFFF  }
0x20e: {  	p0 =	sne.s32 s0, $0x0;
	s0 =	rddreg [dreg:$0x3]  }
0x20f: {  	s0 =	sadd.s32 @!p0 $0x100000, s0  }
0x210: {  	[sflag:s0] =	ssyncadd.tile.s32 @!p0 $0x1;
	_ =	shalt  }
.Lfunc_end2:
_tile_overlayer_lowered:
.L_overlay_start_2:
0x211: {  	(tag) =	ssettag $0x2  }
0x212: {  	s0 =	rddreg [dreg:$0x0];
	s2 =	stileid.u32  }
0x213: {  	s1 =	rddreg [dreg:$0x1];
	p0 =	sne.s32 s2, $0x0  }
0x214: {  	s3 =	rddreg [dreg:$0x2];
	[bflag:$0x3] =	sbarrier.arrive $0xFFFF;
	s2 =	simm.s32 @!p0 $0x1C03  }
0x215: {  	[timem:s3], [sflag:s2] =	dma.local @!p0 [hbm:s0], s1  }
0x216: {  	s0 =	simm.s32 @!p0 $0x3  }
0x217: {  	_ =	swait.ge @!p0 [sflag:s0], s1  }
0x218: {  	s1 =	ssub.s32 @!p0 $0x0, s1;
	[sflag:s0] =	ssyncset.done @!p0 $0x0  }
0x219: {  	[sflag:s0] =	ssyncadd.s32 @!p0 s1  }
0x21a: {  	[bflag:$0x3] =	sbarrier.arrive $0xFFFF  }
0x21b: {  	_ =	shalt  }

</sc_bundles>
